<compile_context>
chip_gen: v7x
topology: tpu7x:2x2x1
jax: 0.10.2.dev20260603
libtpu: 0.0.44.dev20260713+nightly
codegen_flags: <defaults>
</compile_context>

<pallas_src>
import functools

import jax
import jax.numpy as jnp
from jax import lax
from jax.experimental import pallas as pl
from jax.experimental.pallas import tpu as pltpu
from jax.experimental.pallas import tpu_sc as plsc

D_EMBED = 64
D_MODEL = 1024
BATCH = 4
SEQ = 2048
B = BATCH * SEQ
VOCAB_N = 1000000
PAIR_W = 128

NC, NS = 2, 16
NW = NC * NS
R_PER_W = VOCAB_N // NW
CHUNK = 2688
NRB = 12
LIMIT = 1000064
CLAMP_MAX = (LIMIT - CHUNK) // 128 * 128
WAVE = 384
NPOS = ((B + WAVE - 1) // WAVE) * WAVE

_mesh = plsc.VectorSubcoreMesh(
    core_axis_name="c", subcore_axis_name="s", num_cores=NC, num_subcores=NS
)

_LANES = 16


def _splat(x):
    return jnp.full((_LANES,), x, jnp.int32)


@functools.partial(
    pl.kernel,
    out_type=jax.ShapeDtypeStruct((B, PAIR_W), jnp.float32),
    mesh=_mesh,
    scratch_types=[
        pltpu.VMEM((B,), jnp.int32),
        pltpu.VMEM((NPOS,), jnp.int32),
        pltpu.VMEM((NPOS,), jnp.int32),
        pltpu.VMEM((1, 8, CHUNK), jnp.float32),
        pltpu.VMEM((1, 8, CHUNK), jnp.float32),
        pltpu.VMEM((WAVE, PAIR_W), jnp.float32),
        pltpu.SemaphoreType.DMA,
        pltpu.SemaphoreType.DMA,
        pltpu.SemaphoreType.DMA,
    ],
    compiler_params=pltpu.CompilerParams(
        use_tc_tiling_on_sc=True,
        disable_bounds_checks=True,
        needs_layout_passes=False,
    ),
)
def _sc_gather(table3_hbm, ids_hbm, zpad_hbm, out_hbm, ids_v, trel_v, pos_v,
               stage_a, stage_b, rows_v, sem_a, sem_b, sem_o):
    wid = lax.axis_index("s") * NC + lax.axis_index("c")
    rr0 = (wid * R_PER_W) // 128 * 128
    rr1 = jnp.where(wid == NW - 1, VOCAB_N, ((wid + 1) * R_PER_W) // 128 * 128)
    iota = lax.iota(jnp.int32, _LANES)

    def _src0():
        return table3_hbm.at[pl.ds(0, 1), :, pl.ds(rr0, CHUNK)]

    pltpu.async_copy(_src0(), stage_a, sem_a)

    pltpu.sync_copy(zpad_hbm, rows_v)
    pltpu.sync_copy(ids_hbm, ids_v)

    def prefill(i, _):
        plsc.store_scatter(pos_v, [i * _LANES + iota], _splat(-1))
        return 0

    lax.fori_loop(0, NPOS // _LANES, prefill, 0)

    def scan(i, cursor):
        tok = plsc.load_gather(ids_v, [i * _LANES + iota])
        m = (tok >= rr0) & (tok < rr1)
        mi = m.astype(jnp.int32)
        p = cursor + plsc.cumsum(mi) - 1
        plsc.store_scatter(trel_v, [p], tok - rr0, mask=m)
        plsc.store_scatter(pos_v, [p], i * _LANES + iota, mask=m)
        return cursor + plsc.all_reduce_population_count(m)

    cursor = lax.fori_loop(0, B // _LANES, scan, _splat(0))
    n = jnp.max(cursor)
    waves = jnp.maximum((n + WAVE - 1) // WAVE, 1)

    zeros16 = _splat(0)

    def wave_body(w, _):
        lo = w * WAVE

        NJ = 8 * NRB

        def src(j):
            tr = j // NRB
            r_lo_c = jnp.minimum(rr0 + (j % NRB) * CHUNK, CLAMP_MAX)
            return table3_hbm.at[pl.ds(tr, 1), :, pl.ds(r_lo_c, CHUNK)]

        def fire(j, stage, sem):
            pltpu.async_copy(src(j), stage, sem)

        def gather(j, stage):
            tr = j // NRB
            base_rel = jnp.minimum(rr0 + (j % NRB) * CHUNK, CLAMP_MAX) - rr0
            c0 = tr * 8

            def gv_body(v, _):
                le = plsc.load_gather(trel_v, [lo + v * _LANES + iota])
                idx = le - base_rel
                m = (le >= 0) & (idx >= 0) & (idx < CHUNK)
                idx = jnp.clip(idx, 0, CHUNK - 1)
                il = v * _LANES + iota
                for cp in range(8):
                    vals = plsc.load_gather(
                        stage, [zeros16, _splat(cp), idx], mask=m
                    )
                    plsc.store_scatter(
                        rows_v, [il, jnp.full((_LANES,), c0 + cp, jnp.int32)],
                        vals, mask=m,
                    )
                return 0

            lax.fori_loop(0, WAVE // _LANES, gv_body, 0)

        def wait(j, stage, sem):
            pltpu.make_async_copy(src(j), stage, sem).wait()

        @pl.when(w > 0)
        def _():
            fire(0, stage_a, sem_a)

        def pair_body(k, _):
            fire(2 * k + 1, stage_b, sem_b)
            wait(2 * k, stage_a, sem_a)
            gather(2 * k, stage_a)

            @pl.when(k < NJ // 2 - 1)
            def _():
                fire(2 * k + 2, stage_a, sem_a)

            wait(2 * k + 1, stage_b, sem_b)
            gather(2 * k + 1, stage_b)
            return 0

        lax.fori_loop(0, NJ // 2, pair_body, 0)

        pltpu.async_copy(
            rows_v,
            out_hbm.at[plsc.Indices(pos_v.at[pl.ds(lo, WAVE)], ignored_value=-1)],
            sem_o,
        ).wait()
        return 0

    lax.fori_loop(0, waves, wave_body, 0)


def _proj_body(x_ref, w2_ref, o_ref):
    res = lax.dot_general(
        x_ref[...].astype(jnp.bfloat16), w2_ref[...].astype(jnp.bfloat16),
        dimension_numbers=(((1,), (1,)), ((), ())),
        preferred_element_type=jnp.float32,
    )
    o_ref[...] = res.reshape(ROW_BLK // BATCH, BATCH, D_MODEL)


ROW_BLK = 2048


def _project(x, w2):
    return pl.pallas_call(
        _proj_body,
        grid=(B // ROW_BLK,),
        in_specs=[
            pl.BlockSpec((ROW_BLK, PAIR_W), lambda i: (i, 0)),
            pl.BlockSpec((D_MODEL, PAIR_W), lambda i: (0, 0)),
        ],
        out_specs=pl.BlockSpec(
            (ROW_BLK // BATCH, BATCH, D_MODEL), lambda i: (i, 0, 0)
        ),
        out_shape=jax.ShapeDtypeStruct((SEQ, BATCH, D_MODEL), jnp.float32),
    )(x, w2)


def kernel(input_ids, emb_table, emb_proj):
    ids = jnp.transpose(input_ids, (1, 0)).astype(jnp.int32).reshape(B)
    table3 = jnp.transpose(emb_table, (1, 0)).reshape(8, 8, VOCAB_N)
    w2 = jnp.concatenate(
        [emb_proj, jnp.zeros((D_MODEL, D_EMBED), jnp.float32)], axis=1
    )
    zpad = jnp.zeros((WAVE, PAIR_W), jnp.float32)
    rows = _sc_gather(table3, ids, zpad)
    return _project(rows, w2)

# --- scband reference (transcript-rebuilt; emitter-appended) ---
"""Pipeline reference for scband-transformer-xlmodel-2413771620929 (READ-ONLY COPY).

The authoritative reference and input builder live on the scoring server;
editing this copy changes nothing except your own understanding.
"""

import jax, jax.numpy as jnp
import numpy as np

VOCAB = 1000000
D_EMBED = 64
D_MODEL = 1024
BATCH = 4
SEQ = 2048

def setup_inputs(seed: int = 0) -> dict:
    key = jax.random.key(seed)
    k1, k2, k3 = jax.random.split(key, 3)
    input_ids = jax.random.randint(k1, (BATCH, SEQ), 0, VOCAB, dtype=jnp.int64 if jax.config.jax_enable_x64 else jnp.int32)
    emb_table = jax.random.normal(k2, (VOCAB, D_EMBED), dtype=jnp.float32) * 0.02
    emb_proj = jax.random.normal(k3, (D_MODEL, D_EMBED), dtype=jnp.float32) * 0.02
    return {"input_ids": input_ids, "emb_table": emb_table, "emb_proj": emb_proj}

def reference(input_ids, emb_table, emb_proj):
    # TransformerXLModel.forward: transpose to [q_len, bs]
    inp = jnp.transpose(input_ids, (1, 0))
    # AdaptiveEmbedding with div_val == 1: single embedding lookup
    embed = jnp.take(emb_table, inp, axis=0)  # [q_len, bs, d_embed]
    # d_proj != d_embed -> linear projection with weight [d_proj, d_embed]
    embed = embed @ emb_proj.T  # [q_len, bs, d_model]
    return embed

if __name__ == "__main__":
    import jax
    _d = setup_inputs()
    print(jax.jit(kernel)(*tuple(_d.values())))

</pallas_src>

<mosaic_0001>
#map = affine_map<(d0, d1) -> (0, 0, 0)>
#map1 = affine_map<(d0, d1) -> (0)>
#map2 = affine_map<(d0, d1) -> (0, 0)>
module attributes {stable_mosaic.version = 14 : i64} {
  func.func @_sc_gather(%arg0: i32, %arg1: i32, %arg2: memref<8x8x1000000xf32, #tpu.memory_space<hbm>>, %arg3: memref<8192xi32, #tpu.memory_space<hbm>>, %arg4: memref<384x128xf32, #tpu.memory_space<hbm>>, %arg5: memref<8192x128xf32, #tpu.memory_space<hbm>>, %arg6: memref<8192xi32, #tpu.memory_space<vmem>>, %arg7: memref<8448xi32, #tpu.memory_space<vmem>>, %arg8: memref<8448xi32, #tpu.memory_space<vmem>>, %arg9: memref<1x8x2688xf32, #tpu.memory_space<vmem>>, %arg10: memref<1x8x2688xf32, #tpu.memory_space<vmem>>, %arg11: memref<384x128xf32, #tpu.memory_space<vmem>>, %arg12: memref<!tpu.dma_semaphore, #tpu.memory_space<semaphore_mem>>, %arg13: memref<!tpu.dma_semaphore, #tpu.memory_space<semaphore_mem>>, %arg14: memref<!tpu.dma_semaphore, #tpu.memory_space<semaphore_mem>>) attributes {dimension_semantics = [#tpu.dimension_semantics<core_parallel>, #tpu.dimension_semantics<subcore_parallel>], iteration_bounds = array<i64: 2, 16>, scalar_prefetch = 0 : i64, scratch_operands = 9 : i64, tpu.core_type = #tpu.core_type<sc_vector_subcore>, window_params = [{transform_indices = #map}, {transform_indices = #map1}, {transform_indices = #map2}, {transform_indices = #map2}]} {
    %mul3A = arith.constant 2 : i32
    %mul3A_0 = arith.muli %arg1, %mul3A : i32
    %add3A = arith.addi %mul3A_0, %arg0 : i32
    %mul3A_1 = arith.constant 31250 : i32
    %mul3A_2 = arith.muli %add3A, %mul3A_1 : i32
    %jit3A = arith.constant 128 : i32
    %div3A = arith.divsi %mul3A_2, %jit3A : i32
    %sign3A = arith.constant 0 : i32
    %sign3A_3 = arith.cmpi sgt, %mul3A_2, %sign3A : i32
    %sign3A_4 = arith.extui %sign3A_3 : i1 to i32
    %sign3A_5 = arith.constant 0 : i32
    %sign3A_6 = arith.cmpi slt, %mul3A_2, %sign3A_5 : i32
    %sign3A_7 = arith.extui %sign3A_6 : i1 to i32
    %sign3A_8 = arith.subi %sign3A_4, %sign3A_7 : i32
    %sign3A_9 = arith.constant 0 : i32
    %sign3A_10 = arith.cmpi sgt, %jit3A, %sign3A_9 : i32
    %sign3A_11 = arith.extui %sign3A_10 : i1 to i32
    %sign3A_12 = arith.constant 0 : i32
    %sign3A_13 = arith.cmpi slt, %jit3A, %sign3A_12 : i32
    %sign3A_14 = arith.extui %sign3A_13 : i1 to i32
    %sign3A_15 = arith.subi %sign3A_11, %sign3A_14 : i32
    %ne3A = arith.cmpi ne, %sign3A_8, %sign3A_15 : i32
    %rem3A = arith.remsi %mul3A_2, %jit3A : i32
    %ne3A_16 = arith.constant 0 : i32
    %ne3A_17 = arith.cmpi ne, %rem3A, %ne3A_16 : i32
    %and3A = arith.andi %ne3A, %ne3A_17 : i1
    %sub3A = arith.constant 1 : i32
    %sub3A_18 = arith.subi %div3A, %sub3A : i32
    %select_n3A = arith.select %and3A, %sub3A_18, %div3A : i32
    %mul3A_19 = arith.constant 128 : i32
    %mul3A_20 = arith.muli %select_n3A, %mul3A_19 : i32
    %eq3A = arith.constant 31 : i32
    %eq3A_21 = arith.cmpi eq, %add3A, %eq3A : i32
    %add3A_22 = arith.constant 1 : i32
    %add3A_23 = arith.addi %add3A, %add3A_22 : i32
    %mul3A_24 = arith.constant 31250 : i32
    %mul3A_25 = arith.muli %add3A_23, %mul3A_24 : i32
    %jit3A_26 = arith.constant 128 : i32
    %div3A_27 = arith.divsi %mul3A_25, %jit3A_26 : i32
    %sign3A_28 = arith.constant 0 : i32
    %sign3A_29 = arith.cmpi sgt, %mul3A_25, %sign3A_28 : i32
    %sign3A_30 = arith.extui %sign3A_29 : i1 to i32
    %sign3A_31 = arith.constant 0 : i32
    %sign3A_32 = arith.cmpi slt, %mul3A_25, %sign3A_31 : i32
    %sign3A_33 = arith.extui %sign3A_32 : i1 to i32
    %sign3A_34 = arith.subi %sign3A_30, %sign3A_33 : i32
    %sign3A_35 = arith.constant 0 : i32
    %sign3A_36 = arith.cmpi sgt, %jit3A_26, %sign3A_35 : i32
    %sign3A_37 = arith.extui %sign3A_36 : i1 to i32
    %sign3A_38 = arith.constant 0 : i32
    %sign3A_39 = arith.cmpi slt, %jit3A_26, %sign3A_38 : i32
    %sign3A_40 = arith.extui %sign3A_39 : i1 to i32
    %sign3A_41 = arith.subi %sign3A_37, %sign3A_40 : i32
    %ne3A_42 = arith.cmpi ne, %sign3A_34, %sign3A_41 : i32
    %rem3A_43 = arith.remsi %mul3A_25, %jit3A_26 : i32
    %ne3A_44 = arith.constant 0 : i32
    %ne3A_45 = arith.cmpi ne, %rem3A_43, %ne3A_44 : i32
    %and3A_46 = arith.andi %ne3A_42, %ne3A_45 : i1
    %sub3A_47 = arith.constant 1 : i32
    %sub3A_48 = arith.subi %div3A_27, %sub3A_47 : i32
    %select_n3A_49 = arith.select %and3A_46, %sub3A_48, %div3A_27 : i32
    %mul3A_50 = arith.constant 128 : i32
    %mul3A_51 = arith.muli %select_n3A_49, %mul3A_50 : i32
    %jit3A_52 = arith.constant 1000000 : i32
    %select_n3A_53 = arith.select %eq3A_21, %jit3A_52, %mul3A_51 : i32
    %iota3A = tpu.iota {dimensions = array<i32: 0>} : vector<16xi32>
    %dma_start3A = arith.constant 0 : i32
    %dma_start3A_54 = arith.constant 0 : i32
    %dma_start3A_55 = tpu.memref_slice %arg2[%dma_start3A, %dma_start3A_54, %mul3A_20] : memref<8x8x1000000xf32, #tpu.memory_space<hbm>> -> memref<1x8x2688xf32, #tpu.memory_space<hbm>>
    %dma_start3A_56 = arith.constant 0 : i32
    %dma_start3A_57 = arith.constant 0 : i32
    %dma_start3A_58 = tpu.memref_slice %arg2[%dma_start3A_56, %dma_start3A_57, %mul3A_20] : memref<8x8x1000000xf32, #tpu.memory_space<hbm>> -> memref<1x8x2688xf32, #tpu.memory_space<hbm>>
    tpu.enqueue_dma source(%dma_start3A_58 : memref<1x8x2688xf32, #tpu.memory_space<hbm>>) target(%arg9 : memref<1x8x2688xf32, #tpu.memory_space<vmem>>) target_semaphore(%arg12 : memref<!tpu.dma_semaphore, #tpu.memory_space<semaphore_mem>>)
    "tpu.region"() ({
      %run_scoped3A = tpu.sem_alloc : memref<!tpu.dma_semaphore, #tpu.memory_space<semaphore_mem>>
      tpu.enqueue_dma source(%arg4 : memref<384x128xf32, #tpu.memory_space<hbm>>) target(%arg11 : memref<384x128xf32, #tpu.memory_space<vmem>>) target_semaphore(%run_scoped3A : memref<!tpu.dma_semaphore, #tpu.memory_space<semaphore_mem>>)
      tpu.wait_dma2 semaphore(%run_scoped3A : memref<!tpu.dma_semaphore, #tpu.memory_space<semaphore_mem>>) src(%arg4 : memref<384x128xf32, #tpu.memory_space<hbm>>) dst(%arg11 : memref<384x128xf32, #tpu.memory_space<vmem>>)
      tpu.yield
    }) : () -> ()
    "tpu.region"() ({
      %run_scoped3A = tpu.sem_alloc : memref<!tpu.dma_semaphore, #tpu.memory_space<semaphore_mem>>
      tpu.enqueue_dma source(%arg3 : memref<8192xi32, #tpu.memory_space<hbm>>) target(%arg6 : memref<8192xi32, #tpu.memory_space<vmem>>) target_semaphore(%run_scoped3A : memref<!tpu.dma_semaphore, #tpu.memory_space<semaphore_mem>>)
      tpu.wait_dma2 semaphore(%run_scoped3A : memref<!tpu.dma_semaphore, #tpu.memory_space<semaphore_mem>>) src(%arg3 : memref<8192xi32, #tpu.memory_space<hbm>>) dst(%arg6 : memref<8192xi32, #tpu.memory_space<vmem>>)
      tpu.yield
    }) : () -> ()
    %scan3A = arith.constant 0 : i32
    %scan3A_59 = arith.constant 0 : i32
    %scan3A_60 = arith.constant 528 : i32
    %scan3A_61 = arith.addi %scan3A_59, %scan3A_60 : i32
    %scan3A_62 = arith.constant 1 : i32
    %scan3A_63 = scf.for %scan3A_121 = %scan3A_59 to %scan3A_61 step %scan3A_62 iter_args(%scan3A_122 = %scan3A) -> (i32)  : i32 {
      %mul3A_123 = arith.constant 16 : i32
      %mul3A_124 = arith.muli %scan3A_121, %mul3A_123 : i32
      %add3A_125 = vector.broadcast %mul3A_124 : i32 to vector<16xi32>
      %add3A_126 = arith.addi %add3A_125, %iota3A : vector<16xi32>
      %broadcast_in_dim3A_127 = arith.constant -1 : i32
      %broadcast_in_dim3A_128 = vector.broadcast %broadcast_in_dim3A_127 : i32 to vector<16xi32>
      tpu.vector_store_idx %arg8[%add3A_126], %broadcast_in_dim3A_128 : memref<8448xi32, #tpu.memory_space<vmem>>[vector<16xi32>], vector<16xi32>,
      %scan3A_129 = arith.constant 0 : i32
      scf.yield %scan3A_129 : i32
    }
    %scan3A_64 = arith.constant 528 : i32
    %broadcast_in_dim3A = arith.constant 0 : i32
    %broadcast_in_dim3A_65 = vector.broadcast %broadcast_in_dim3A : i32 to vector<16xi32>
    %scan3A_66 = arith.constant 0 : i32
    %scan3A_67 = arith.constant 512 : i32
    %scan3A_68 = arith.addi %scan3A_66, %scan3A_67 : i32
    %scan3A_69 = arith.constant 1 : i32
    %scan3A_70 = scf.for %scan3A_121 = %scan3A_66 to %scan3A_68 step %scan3A_69 iter_args(%scan3A_122 = %broadcast_in_dim3A_65) -> (vector<16xi32>)  : i32 {
      %mul3A_123 = arith.constant 16 : i32
      %mul3A_124 = arith.muli %scan3A_121, %mul3A_123 : i32
      %add3A_125 = vector.broadcast %mul3A_124 : i32 to vector<16xi32>
      %add3A_126 = arith.addi %add3A_125, %iota3A : vector<16xi32>
      %gather3A = tpu.vector_load_idx %arg6[%add3A_126] : memref<8192xi32, #tpu.memory_space<vmem>>[vector<16xi32>], vector<16xi32>,
      %ge3A = vector.broadcast %mul3A_20 : i32 to vector<16xi32>
      %ge3A_127 = arith.cmpi sge, %gather3A, %ge3A : vector<16xi32>
      %lt3A = vector.broadcast %select_n3A_53 : i32 to vector<16xi32>
      %lt3A_128 = arith.cmpi slt, %gather3A, %lt3A : vector<16xi32>
      %and3A_129 = arith.andi %ge3A_127, %lt3A_128 : vector<16xi1>
      %convert_element_type3A = arith.extui %and3A_129 : vector<16xi1> to vector<16xi32>
      %broadcast_in_dim3A_130 = arith.constant true
      %broadcast_in_dim3A_131 = vector.broadcast %broadcast_in_dim3A_130 : i1 to vector<16xi1>
      %masked_cumsum3A = tpu.scan <sum>, %convert_element_type3A masked %broadcast_in_dim3A_131 : vector<16xi32>, vector<16xi1> -> vector<16xi32>
      %add3A_132 = arith.addi %scan3A_122, %masked_cumsum3A : vector<16xi32>
      %sub3A_133 = arith.constant 1 : i32
      %sub3A_134 = vector.broadcast %sub3A_133 : i32 to vector<16xi32>
      %sub3A_135 = arith.subi %add3A_132, %sub3A_134 : vector<16xi32>
      %sub3A_136 = vector.broadcast %mul3A_20 : i32 to vector<16xi32>
      %sub3A_137 = arith.subi %gather3A, %sub3A_136 : vector<16xi32>
      tpu.vector_store_idx %arg7[%sub3A_135], %sub3A_137 masked %and3A_129 : memref<8448xi32, #tpu.memory_space<vmem>>[vector<16xi32>], vector<16xi32>, vector<16xi1>
      %mul3A_138 = arith.constant 16 : i32
      %mul3A_139 = arith.muli %scan3A_121, %mul3A_138 : i32
      %add3A_140 = vector.broadcast %mul3A_139 : i32 to vector<16xi32>
      %add3A_141 = arith.addi %add3A_140, %iota3A : vector<16xi32>
      tpu.vector_store_idx %arg8[%sub3A_135], %add3A_141 masked %and3A_129 : memref<8448xi32, #tpu.memory_space<vmem>>[vector<16xi32>], vector<16xi32>, vector<16xi1>
      %all_reduce_population_count3A = tpu.all_reduce %and3A_129 {dim = 0 : i64, kind = #tpu.reduction_kind<sum>} : vector<16xi1> -> vector<16xi32>
      %add3A_142 = arith.addi %scan3A_122, %all_reduce_population_count3A : vector<16xi32>
      scf.yield %add3A_142 : vector<16xi32>
    }
    %scan3A_71 = arith.constant 512 : i32
    %reduce_max3A = arith.constant true
    %reduce_max3A_72 = vector.broadcast %reduce_max3A : i1 to vector<16xi1>
    %reduce_max3A_73 = arith.constant -2147483648 : i32
    %reduce_max3A_74 = vector.broadcast %reduce_max3A_73 : i32 to vector<16xi32>
    %reduce_max3A_75 = arith.xori %scan3A_70, %reduce_max3A_74 : vector<16xi32>
    %reduce_max3A_76 = tpu.scan <max>, %reduce_max3A_75 masked %reduce_max3A_72 : vector<16xi32>, vector<16xi1> -> vector<16xi32>
    %reduce_max3A_77 = arith.xori %reduce_max3A_76, %reduce_max3A_74 : vector<16xi32>
    %reduce_max3A_78 = vector.extract %reduce_max3A_77[15] : i32 from vector<16xi32>
    %add3A_79 = arith.constant 384 : i32
    %add3A_80 = arith.addi %reduce_max3A_78, %add3A_79 : i32
    %sub3A_81 = arith.constant 1 : i32
    %sub3A_82 = arith.subi %add3A_80, %sub3A_81 : i32
    %jit3A_83 = arith.constant 384 : i32
    %div3A_84 = arith.divsi %sub3A_82, %jit3A_83 : i32
    %sign3A_85 = arith.constant 0 : i32
    %sign3A_86 = arith.cmpi sgt, %sub3A_82, %sign3A_85 : i32
    %sign3A_87 = arith.extui %sign3A_86 : i1 to i32
    %sign3A_88 = arith.constant 0 : i32
    %sign3A_89 = arith.cmpi slt, %sub3A_82, %sign3A_88 : i32
    %sign3A_90 = arith.extui %sign3A_89 : i1 to i32
    %sign3A_91 = arith.subi %sign3A_87, %sign3A_90 : i32
    %sign3A_92 = arith.constant 0 : i32
    %sign3A_93 = arith.cmpi sgt, %jit3A_83, %sign3A_92 : i32
    %sign3A_94 = arith.extui %sign3A_93 : i1 to i32
    %sign3A_95 = arith.constant 0 : i32
    %sign3A_96 = arith.cmpi slt, %jit3A_83, %sign3A_95 : i32
    %sign3A_97 = arith.extui %sign3A_96 : i1 to i32
    %sign3A_98 = arith.subi %sign3A_94, %sign3A_97 : i32
    %ne3A_99 = arith.cmpi ne, %sign3A_91, %sign3A_98 : i32
    %rem3A_100 = arith.remsi %sub3A_82, %jit3A_83 : i32
    %ne3A_101 = arith.constant 0 : i32
    %ne3A_102 = arith.cmpi ne, %rem3A_100, %ne3A_101 : i32
    %and3A_103 = arith.andi %ne3A_99, %ne3A_102 : i1
    %sub3A_104 = arith.constant 1 : i32
    %sub3A_105 = arith.subi %div3A_84, %sub3A_104 : i32
    %select_n3A_106 = arith.select %and3A_103, %sub3A_105, %div3A_84 : i32
    %max3A = arith.constant 1 : i32
    %max3A_107 = arith.maxsi %select_n3A_106, %max3A : i32
    %broadcast_in_dim3A_108 = arith.constant 0 : i32
    %broadcast_in_dim3A_109 = vector.broadcast %broadcast_in_dim3A_108 : i32 to vector<16xi32>
    %while3A = arith.constant 0 : i32
    %while3A_110 = arith.constant 0 : i32
    %while3A_111 = arith.subi %max3A_107, %while3A : i32
    %while3A_112 = arith.addi %while3A, %while3A_111 : i32
    %while3A_113 = arith.constant 1 : i32
    %while3A_114 = arith.divsi %while3A_111, %while3A_113 : i32
    %while3A_115 = arith.muli %while3A_114, %while3A_113 : i32
    %while3A_116 = arith.addi %while3A, %while3A_115 : i32
    %while3A_117 = arith.constant 1 : i32
    %while3A_118 = scf.for %while3A_121 = %while3A to %while3A_116 step %while3A_117 iter_args(%while3A_122 = %while3A_110) -> (i32)  : i32 {
      %mul3A_123 = arith.constant 384 : i32
      %mul3A_124 = arith.muli %while3A_121, %mul3A_123 : i32
      %gt3A = arith.constant 0 : i32
      %gt3A_125 = arith.cmpi sgt, %while3A_121, %gt3A : i32
      %convert_element_type3A = arith.extui %gt3A_125 : i1 to i32
      %cond3A = arith.constant 0 : i32
      %cond3A_126 = arith.cmpi ne, %convert_element_type3A, %cond3A : i32
      scf.if %cond3A_126 {
        %add3A_143 = arith.constant 0 : i32
        %add3A_144 = arith.addi %mul3A_20, %add3A_143 : i32
        %min3A = arith.constant 997376 : i32
        %min3A_145 = arith.minsi %add3A_144, %min3A : i32
        %dma_start3A_146 = arith.constant 0 : i32
        %dma_start3A_147 = arith.constant 0 : i32
        %dma_start3A_148 = tpu.memref_slice %arg2[%dma_start3A_146, %dma_start3A_147, %min3A_145] : memref<8x8x1000000xf32, #tpu.memory_space<hbm>> -> memref<1x8x2688xf32, #tpu.memory_space<hbm>>
        %dma_start3A_149 = arith.constant 0 : i32
        %dma_start3A_150 = arith.constant 0 : i32
        %dma_start3A_151 = tpu.memref_slice %arg2[%dma_start3A_149, %dma_start3A_150, %min3A_145] : memref<8x8x1000000xf32, #tpu.memory_space<hbm>> -> memref<1x8x2688xf32, #tpu.memory_space<hbm>>
        tpu.enqueue_dma source(%dma_start3A_151 : memref<1x8x2688xf32, #tpu.memory_space<hbm>>) target(%arg9 : memref<1x8x2688xf32, #tpu.memory_space<vmem>>) target_semaphore(%arg12 : memref<!tpu.dma_semaphore, #tpu.memory_space<semaphore_mem>>)
      } else {
      }
      %scan3A_127 = arith.constant 0 : i32
      %scan3A_128 = arith.constant 0 : i32
      %scan3A_129 = arith.constant 48 : i32
      %scan3A_130 = arith.addi %scan3A_128, %scan3A_129 : i32
      %scan3A_131 = arith.constant 1 : i32
      %scan3A_132 = scf.for %scan3A_143 = %scan3A_128 to %scan3A_130 step %scan3A_131 iter_args(%scan3A_144 = %scan3A_127) -> (i32)  : i32 {
        %mul3A_145 = arith.constant 2 : i32
        %mul3A_146 = arith.muli %mul3A_145, %scan3A_143 : i32
        %add3A_147 = arith.constant 1 : i32
        %add3A_148 = arith.addi %mul3A_146, %add3A_147 : i32
        %jit3A_149 = arith.constant 12 : i32
        %div3A_150 = arith.divsi %add3A_148, %jit3A_149 : i32
        %sign3A_151 = arith.constant 0 : i32
        %sign3A_152 = arith.cmpi sgt, %add3A_148, %sign3A_151 : i32
        %sign3A_153 = arith.extui %sign3A_152 : i1 to i32
        %sign3A_154 = arith.constant 0 : i32
        %sign3A_155 = arith.cmpi slt, %add3A_148, %sign3A_154 : i32
        %sign3A_156 = arith.extui %sign3A_155 : i1 to i32
        %sign3A_157 = arith.subi %sign3A_153, %sign3A_156 : i32
        %sign3A_158 = arith.constant 0 : i32
        %sign3A_159 = arith.cmpi sgt, %jit3A_149, %sign3A_158 : i32
        %sign3A_160 = arith.extui %sign3A_159 : i1 to i32
        %sign3A_161 = arith.constant 0 : i32
        %sign3A_162 = arith.cmpi slt, %jit3A_149, %sign3A_161 : i32
        %sign3A_163 = arith.extui %sign3A_162 : i1 to i32
        %sign3A_164 = arith.subi %sign3A_160, %sign3A_163 : i32
        %ne3A_165 = arith.cmpi ne, %sign3A_157, %sign3A_164 : i32
        %rem3A_166 = arith.remsi %add3A_148, %jit3A_149 : i32
        %ne3A_167 = arith.constant 0 : i32
        %ne3A_168 = arith.cmpi ne, %rem3A_166, %ne3A_167 : i32
        %and3A_169 = arith.andi %ne3A_165, %ne3A_168 : i1
        %sub3A_170 = arith.constant 1 : i32
        %sub3A_171 = arith.subi %div3A_150, %sub3A_170 : i32
        %select_n3A_172 = arith.select %and3A_169, %sub3A_171, %div3A_150 : i32
        %jit3A_173 = arith.constant 12 : i32
        %eq3A_174 = arith.constant 0 : i32
        %eq3A_175 = arith.cmpi eq, %jit3A_173, %eq3A_174 : i32
        %jit3A_176 = arith.constant 1 : i32
        %select_n3A_177 = arith.select %eq3A_175, %jit3A_176, %jit3A_173 : i32
        %rem3A_178 = arith.remsi %add3A_148, %select_n3A_177 : i32
        %ne3A_179 = arith.constant 0 : i32
        %ne3A_180 = arith.cmpi ne, %rem3A_178, %ne3A_179 : i32
        %lt3A = arith.constant 0 : i32
        %lt3A_181 = arith.cmpi slt, %rem3A_178, %lt3A : i32
        %lt3A_182 = arith.constant 0 : i32
        %lt3A_183 = arith.cmpi slt, %select_n3A_177, %lt3A_182 : i32
        %ne3A_184 = arith.xori %lt3A_181, %lt3A_183 : i1
        %and3A_185 = arith.andi %ne3A_184, %ne3A_180 : i1
        %add3A_186 = arith.addi %rem3A_178, %select_n3A_177 : i32
        %select_n3A_187 = arith.select %and3A_185, %add3A_186, %rem3A_178 : i32
        %mul3A_188 = arith.constant 2688 : i32
        %mul3A_189 = arith.muli %select_n3A_187, %mul3A_188 : i32
        %add3A_190 = arith.addi %mul3A_20, %mul3A_189 : i32
        %min3A = arith.constant 997376 : i32
        %min3A_191 = arith.minsi %add3A_190, %min3A : i32
        %dma_start3A_192 = arith.constant 0 : i32
        %dma_start3A_193 = tpu.memref_slice %arg2[%select_n3A_172, %dma_start3A_192, %min3A_191] : memref<8x8x1000000xf32, #tpu.memory_space<hbm>> -> memref<1x8x2688xf32, #tpu.memory_space<hbm>>
        %dma_start3A_194 = arith.constant 0 : i32
        %dma_start3A_195 = tpu.memref_slice %arg2[%select_n3A_172, %dma_start3A_194, %min3A_191] : memref<8x8x1000000xf32, #tpu.memory_space<hbm>> -> memref<1x8x2688xf32, #tpu.memory_space<hbm>>
        tpu.enqueue_dma source(%dma_start3A_195 : memref<1x8x2688xf32, #tpu.memory_space<hbm>>) target(%arg10 : memref<1x8x2688xf32, #tpu.memory_space<vmem>>) target_semaphore(%arg13 : memref<!tpu.dma_semaphore, #tpu.memory_space<semaphore_mem>>)
        %mul3A_196 = arith.constant 2 : i32
        %mul3A_197 = arith.muli %mul3A_196, %scan3A_143 : i32
        %jit3A_198 = arith.constant 12 : i32
        %div3A_199 = arith.divsi %mul3A_197, %jit3A_198 : i32
        %sign3A_200 = arith.constant 0 : i32
        %sign3A_201 = arith.cmpi sgt, %mul3A_197, %sign3A_200 : i32
        %sign3A_202 = arith.extui %sign3A_201 : i1 to i32
        %sign3A_203 = arith.constant 0 : i32
        %sign3A_204 = arith.cmpi slt, %mul3A_197, %sign3A_203 : i32
        %sign3A_205 = arith.extui %sign3A_204 : i1 to i32
        %sign3A_206 = arith.subi %sign3A_202, %sign3A_205 : i32
        %sign3A_207 = arith.constant 0 : i32
        %sign3A_208 = arith.cmpi sgt, %jit3A_198, %sign3A_207 : i32
        %sign3A_209 = arith.extui %sign3A_208 : i1 to i32
        %sign3A_210 = arith.constant 0 : i32
        %sign3A_211 = arith.cmpi slt, %jit3A_198, %sign3A_210 : i32
        %sign3A_212 = arith.extui %sign3A_211 : i1 to i32
        %sign3A_213 = arith.subi %sign3A_209, %sign3A_212 : i32
        %ne3A_214 = arith.cmpi ne, %sign3A_206, %sign3A_213 : i32
        %rem3A_215 = arith.remsi %mul3A_197, %jit3A_198 : i32
        %ne3A_216 = arith.constant 0 : i32
        %ne3A_217 = arith.cmpi ne, %rem3A_215, %ne3A_216 : i32
        %and3A_218 = arith.andi %ne3A_214, %ne3A_217 : i1
        %sub3A_219 = arith.constant 1 : i32
        %sub3A_220 = arith.subi %div3A_199, %sub3A_219 : i32
        %select_n3A_221 = arith.select %and3A_218, %sub3A_220, %div3A_199 : i32
        %jit3A_222 = arith.constant 12 : i32
        %eq3A_223 = arith.constant 0 : i32
        %eq3A_224 = arith.cmpi eq, %jit3A_222, %eq3A_223 : i32
        %jit3A_225 = arith.constant 1 : i32
        %select_n3A_226 = arith.select %eq3A_224, %jit3A_225, %jit3A_222 : i32
        %rem3A_227 = arith.remsi %mul3A_197, %select_n3A_226 : i32
        %ne3A_228 = arith.constant 0 : i32
        %ne3A_229 = arith.cmpi ne, %rem3A_227, %ne3A_228 : i32
        %lt3A_230 = arith.constant 0 : i32
        %lt3A_231 = arith.cmpi slt, %rem3A_227, %lt3A_230 : i32
        %lt3A_232 = arith.constant 0 : i32
        %lt3A_233 = arith.cmpi slt, %select_n3A_226, %lt3A_232 : i32
        %ne3A_234 = arith.xori %lt3A_231, %lt3A_233 : i1
        %and3A_235 = arith.andi %ne3A_234, %ne3A_229 : i1
        %add3A_236 = arith.addi %rem3A_227, %select_n3A_226 : i32
        %select_n3A_237 = arith.select %and3A_235, %add3A_236, %rem3A_227 : i32
        %mul3A_238 = arith.constant 2688 : i32
        %mul3A_239 = arith.muli %select_n3A_237, %mul3A_238 : i32
        %add3A_240 = arith.addi %mul3A_20, %mul3A_239 : i32
        %min3A_241 = arith.constant 997376 : i32
        %min3A_242 = arith.minsi %add3A_240, %min3A_241 : i32
        %dma_wait3A_243 = arith.constant 0 : i32
        %dma_wait3A_244 = tpu.memref_slice %arg2[%select_n3A_221, %dma_wait3A_243, %min3A_242] : memref<8x8x1000000xf32, #tpu.memory_space<hbm>> -> memref<1x8x2688xf32, #tpu.memory_space<hbm>>
        %dma_wait3A_245 = arith.constant 0 : i32
        %dma_wait3A_246 = tpu.memref_slice %arg2[%select_n3A_221, %dma_wait3A_245, %min3A_242] : memref<8x8x1000000xf32, #tpu.memory_space<hbm>> -> memref<1x8x2688xf32, #tpu.memory_space<hbm>>
        tpu.wait_dma2 semaphore(%arg12 : memref<!tpu.dma_semaphore, #tpu.memory_space<semaphore_mem>>) src(%dma_wait3A_246 : memref<1x8x2688xf32, #tpu.memory_space<hbm>>) dst(%arg9 : memref<1x8x2688xf32, #tpu.memory_space<vmem>>)
        %mul3A_247 = arith.constant 2 : i32
        %mul3A_248 = arith.muli %mul3A_247, %scan3A_143 : i32
        %jit3A_249 = arith.constant 12 : i32
        %div3A_250 = arith.divsi %mul3A_248, %jit3A_249 : i32
        %sign3A_251 = arith.constant 0 : i32
        %sign3A_252 = arith.cmpi sgt, %mul3A_248, %sign3A_251 : i32
        %sign3A_253 = arith.extui %sign3A_252 : i1 to i32
        %sign3A_254 = arith.constant 0 : i32
        %sign3A_255 = arith.cmpi slt, %mul3A_248, %sign3A_254 : i32
        %sign3A_256 = arith.extui %sign3A_255 : i1 to i32
        %sign3A_257 = arith.subi %sign3A_253, %sign3A_256 : i32
        %sign3A_258 = arith.constant 0 : i32
        %sign3A_259 = arith.cmpi sgt, %jit3A_249, %sign3A_258 : i32
        %sign3A_260 = arith.extui %sign3A_259 : i1 to i32
        %sign3A_261 = arith.constant 0 : i32
        %sign3A_262 = arith.cmpi slt, %jit3A_249, %sign3A_261 : i32
        %sign3A_263 = arith.extui %sign3A_262 : i1 to i32
        %sign3A_264 = arith.subi %sign3A_260, %sign3A_263 : i32
        %ne3A_265 = arith.cmpi ne, %sign3A_257, %sign3A_264 : i32
        %rem3A_266 = arith.remsi %mul3A_248, %jit3A_249 : i32
        %ne3A_267 = arith.constant 0 : i32
        %ne3A_268 = arith.cmpi ne, %rem3A_266, %ne3A_267 : i32
        %and3A_269 = arith.andi %ne3A_265, %ne3A_268 : i1
        %sub3A_270 = arith.constant 1 : i32
        %sub3A_271 = arith.subi %div3A_250, %sub3A_270 : i32
        %select_n3A_272 = arith.select %and3A_269, %sub3A_271, %div3A_250 : i32
        %jit3A_273 = arith.constant 12 : i32
        %eq3A_274 = arith.constant 0 : i32
        %eq3A_275 = arith.cmpi eq, %jit3A_273, %eq3A_274 : i32
        %jit3A_276 = arith.constant 1 : i32
        %select_n3A_277 = arith.select %eq3A_275, %jit3A_276, %jit3A_273 : i32
        %rem3A_278 = arith.remsi %mul3A_248, %select_n3A_277 : i32
        %ne3A_279 = arith.constant 0 : i32
        %ne3A_280 = arith.cmpi ne, %rem3A_278, %ne3A_279 : i32
        %lt3A_281 = arith.constant 0 : i32
        %lt3A_282 = arith.cmpi slt, %rem3A_278, %lt3A_281 : i32
        %lt3A_283 = arith.constant 0 : i32
        %lt3A_284 = arith.cmpi slt, %select_n3A_277, %lt3A_283 : i32
        %ne3A_285 = arith.xori %lt3A_282, %lt3A_284 : i1
        %and3A_286 = arith.andi %ne3A_285, %ne3A_280 : i1
        %add3A_287 = arith.addi %rem3A_278, %select_n3A_277 : i32
        %select_n3A_288 = arith.select %and3A_286, %add3A_287, %rem3A_278 : i32
        %mul3A_289 = arith.constant 2688 : i32
        %mul3A_290 = arith.muli %select_n3A_288, %mul3A_289 : i32
        %add3A_291 = arith.addi %mul3A_20, %mul3A_290 : i32
        %min3A_292 = arith.constant 997376 : i32
        %min3A_293 = arith.minsi %add3A_291, %min3A_292 : i32
        %sub3A_294 = arith.subi %min3A_293, %mul3A_20 : i32
        %mul3A_295 = arith.constant 8 : i32
        %mul3A_296 = arith.muli %select_n3A_272, %mul3A_295 : i32
        %scan3A_297 = arith.constant 0 : i32
        %scan3A_298 = arith.constant 0 : i32
        %scan3A_299 = arith.constant 24 : i32
        %scan3A_300 = arith.addi %scan3A_298, %scan3A_299 : i32
        %scan3A_301 = arith.constant 1 : i32
        %scan3A_302 = scf.for %scan3A_422 = %scan3A_298 to %scan3A_300 step %scan3A_301 iter_args(%scan3A_423 = %scan3A_297) -> (i32)  : i32 {
          %mul3A_424 = arith.constant 16 : i32
          %mul3A_425 = arith.muli %scan3A_422, %mul3A_424 : i32
          %add3A_426 = arith.addi %mul3A_124, %mul3A_425 : i32
          %add3A_427 = vector.broadcast %add3A_426 : i32 to vector<16xi32>
          %add3A_428 = arith.addi %add3A_427, %iota3A : vector<16xi32>
          %gather3A = tpu.vector_load_idx %arg7[%add3A_428] : memref<8448xi32, #tpu.memory_space<vmem>>[vector<16xi32>], vector<16xi32>,
          %sub3A_429 = vector.broadcast %sub3A_294 : i32 to vector<16xi32>
          %sub3A_430 = arith.subi %gather3A, %sub3A_429 : vector<16xi32>
          %ge3A = arith.constant 0 : i32
          %ge3A_431 = vector.broadcast %ge3A : i32 to vector<16xi32>
          %ge3A_432 = arith.cmpi sge, %gather3A, %ge3A_431 : vector<16xi32>
          %ge3A_433 = arith.constant 0 : i32
          %ge3A_434 = vector.broadcast %ge3A_433 : i32 to vector<16xi32>
          %ge3A_435 = arith.cmpi sge, %sub3A_430, %ge3A_434 : vector<16xi32>
          %and3A_436 = arith.andi %ge3A_432, %ge3A_435 : vector<16xi1>
          %lt3A_437 = arith.constant 2688 : i32
          %lt3A_438 = vector.broadcast %lt3A_437 : i32 to vector<16xi32>
          %lt3A_439 = arith.cmpi slt, %sub3A_430, %lt3A_438 : vector<16xi32>
          %and3A_440 = arith.andi %and3A_436, %lt3A_439 : vector<16xi1>
          %jit3A_441 = arith.constant 0 : i32
          %jit3A_442 = arith.constant 2687 : i32
          %max3A_443 = vector.broadcast %jit3A_441 : i32 to vector<16xi32>
          %max3A_444 = arith.maxsi %max3A_443, %sub3A_430 : vector<16xi32>
          %min3A_445 = vector.broadcast %jit3A_442 : i32 to vector<16xi32>
          %min3A_446 = arith.minsi %min3A_445, %max3A_444 : vector<16xi32>
          %mul3A_447 = arith.constant 16 : i32
          %mul3A_448 = arith.muli %scan3A_422, %mul3A_447 : i32
          %add3A_449 = vector.broadcast %mul3A_448 : i32 to vector<16xi32>
          %add3A_450 = arith.addi %add3A_449, %iota3A : vector<16xi32>
          %broadcast_in_dim3A_451 = arith.constant 0 : i32
          %broadcast_in_dim3A_452 = vector.broadcast %broadcast_in_dim3A_451 : i32 to vector<16xi32>
          %gather3A_453 = tpu.vector_load_idx %arg9[%broadcast_in_dim3A_109, %broadcast_in_dim3A_452, %min3A_446] masked %and3A_440 : memref<1x8x2688xf32, #tpu.memory_space<vmem>>[vector<16xi32>, vector<16xi32>, vector<16xi32>], vector<16xf32>, vector<16xi1>
          %add3A_454 = arith.constant 0 : i32
          %add3A_455 = arith.addi %mul3A_296, %add3A_454 : i32
          %broadcast_in_dim3A_456 = vector.broadcast %add3A_455 : i32 to vector<16xi32>
          tpu.vector_store_idx %arg11[%add3A_450, %broadcast_in_dim3A_456], %gather3A_453 masked %and3A_440 : memref<384x128xf32, #tpu.memory_space<vmem>>[vector<16xi32>, vector<16xi32>], vector<16xf32>, vector<16xi1>
          %broadcast_in_dim3A_457 = arith.constant 1 : i32
          %broadcast_in_dim3A_458 = vector.broadcast %broadcast_in_dim3A_457 : i32 to vector<16xi32>
          %gather3A_459 = tpu.vector_load_idx %arg9[%broadcast_in_dim3A_109, %broadcast_in_dim3A_458, %min3A_446] masked %and3A_440 : memref<1x8x2688xf32, #tpu.memory_space<vmem>>[vector<16xi32>, vector<16xi32>, vector<16xi32>], vector<16xf32>, vector<16xi1>
          %add3A_460 = arith.constant 1 : i32
          %add3A_461 = arith.addi %mul3A_296, %add3A_460 : i32
          %broadcast_in_dim3A_462 = vector.broadcast %add3A_461 : i32 to vector<16xi32>
          tpu.vector_store_idx %arg11[%add3A_450, %broadcast_in_dim3A_462], %gather3A_459 masked %and3A_440 : memref<384x128xf32, #tpu.memory_space<vmem>>[vector<16xi32>, vector<16xi32>], vector<16xf32>, vector<16xi1>
          %broadcast_in_dim3A_463 = arith.constant 2 : i32
          %broadcast_in_dim3A_464 = vector.broadcast %broadcast_in_dim3A_463 : i32 to vector<16xi32>
          %gather3A_465 = tpu.vector_load_idx %arg9[%broadcast_in_dim3A_109, %broadcast_in_dim3A_464, %min3A_446] masked %and3A_440 : memref<1x8x2688xf32, #tpu.memory_space<vmem>>[vector<16xi32>, vector<16xi32>, vector<16xi32>], vector<16xf32>, vector<16xi1>
          %add3A_466 = arith.constant 2 : i32
          %add3A_467 = arith.addi %mul3A_296, %add3A_466 : i32
          %broadcast_in_dim3A_468 = vector.broadcast %add3A_467 : i32 to vector<16xi32>
          tpu.vector_store_idx %arg11[%add3A_450, %broadcast_in_dim3A_468], %gather3A_465 masked %and3A_440 : memref<384x128xf32, #tpu.memory_space<vmem>>[vector<16xi32>, vector<16xi32>], vector<16xf32>, vector<16xi1>
          %broadcast_in_dim3A_469 = arith.constant 3 : i32
          %broadcast_in_dim3A_470 = vector.broadcast %broadcast_in_dim3A_469 : i32 to vector<16xi32>
          %gather3A_471 = tpu.vector_load_idx %arg9[%broadcast_in_dim3A_109, %broadcast_in_dim3A_470, %min3A_446] masked %and3A_440 : memref<1x8x2688xf32, #tpu.memory_space<vmem>>[vector<16xi32>, vector<16xi32>, vector<16xi32>], vector<16xf32>, vector<16xi1>
          %add3A_472 = arith.constant 3 : i32
          %add3A_473 = arith.addi %mul3A_296, %add3A_472 : i32
          %broadcast_in_dim3A_474 = vector.broadcast %add3A_473 : i32 to vector<16xi32>
          tpu.vector_store_idx %arg11[%add3A_450, %broadcast_in_dim3A_474], %gather3A_471 masked %and3A_440 : memref<384x128xf32, #tpu.memory_space<vmem>>[vector<16xi32>, vector<16xi32>], vector<16xf32>, vector<16xi1>
          %broadcast_in_dim3A_475 = arith.constant 4 : i32
          %broadcast_in_dim3A_476 = vector.broadcast %broadcast_in_dim3A_475 : i32 to vector<16xi32>
          %gather3A_477 = tpu.vector_load_idx %arg9[%broadcast_in_dim3A_109, %broadcast_in_dim3A_476, %min3A_446] masked %and3A_440 : memref<1x8x2688xf32, #tpu.memory_space<vmem>>[vector<16xi32>, vector<16xi32>, vector<16xi32>], vector<16xf32>, vector<16xi1>
          %add3A_478 = arith.constant 4 : i32
          %add3A_479 = arith.addi %mul3A_296, %add3A_478 : i32
          %broadcast_in_dim3A_480 = vector.broadcast %add3A_479 : i32 to vector<16xi32>
          tpu.vector_store_idx %arg11[%add3A_450, %broadcast_in_dim3A_480], %gather3A_477 masked %and3A_440 : memref<384x128xf32, #tpu.memory_space<vmem>>[vector<16xi32>, vector<16xi32>], vector<16xf32>, vector<16xi1>
          %broadcast_in_dim3A_481 = arith.constant 5 : i32
          %broadcast_in_dim3A_482 = vector.broadcast %broadcast_in_dim3A_481 : i32 to vector<16xi32>
          %gather3A_483 = tpu.vector_load_idx %arg9[%broadcast_in_dim3A_109, %broadcast_in_dim3A_482, %min3A_446] masked %and3A_440 : memref<1x8x2688xf32, #tpu.memory_space<vmem>>[vector<16xi32>, vector<16xi32>, vector<16xi32>], vector<16xf32>, vector<16xi1>
          %add3A_484 = arith.constant 5 : i32
          %add3A_485 = arith.addi %mul3A_296, %add3A_484 : i32
          %broadcast_in_dim3A_486 = vector.broadcast %add3A_485 : i32 to vector<16xi32>
          tpu.vector_store_idx %arg11[%add3A_450, %broadcast_in_dim3A_486], %gather3A_483 masked %and3A_440 : memref<384x128xf32, #tpu.memory_space<vmem>>[vector<16xi32>, vector<16xi32>], vector<16xf32>, vector<16xi1>
          %broadcast_in_dim3A_487 = arith.constant 6 : i32
          %broadcast_in_dim3A_488 = vector.broadcast %broadcast_in_dim3A_487 : i32 to vector<16xi32>
          %gather3A_489 = tpu.vector_load_idx %arg9[%broadcast_in_dim3A_109, %broadcast_in_dim3A_488, %min3A_446] masked %and3A_440 : memref<1x8x2688xf32, #tpu.memory_space<vmem>>[vector<16xi32>, vector<16xi32>, vector<16xi32>], vector<16xf32>, vector<16xi1>
          %add3A_490 = arith.constant 6 : i32
          %add3A_491 = arith.addi %mul3A_296, %add3A_490 : i32
          %broadcast_in_dim3A_492 = vector.broadcast %add3A_491 : i32 to vector<16xi32>
          tpu.vector_store_idx %arg11[%add3A_450, %broadcast_in_dim3A_492], %gather3A_489 masked %and3A_440 : memref<384x128xf32, #tpu.memory_space<vmem>>[vector<16xi32>, vector<16xi32>], vector<16xf32>, vector<16xi1>
          %broadcast_in_dim3A_493 = arith.constant 7 : i32
          %broadcast_in_dim3A_494 = vector.broadcast %broadcast_in_dim3A_493 : i32 to vector<16xi32>
          %gather3A_495 = tpu.vector_load_idx %arg9[%broadcast_in_dim3A_109, %broadcast_in_dim3A_494, %min3A_446] masked %and3A_440 : memref<1x8x2688xf32, #tpu.memory_space<vmem>>[vector<16xi32>, vector<16xi32>, vector<16xi32>], vector<16xf32>, vector<16xi1>
          %add3A_496 = arith.constant 7 : i32
          %add3A_497 = arith.addi %mul3A_296, %add3A_496 : i32
          %broadcast_in_dim3A_498 = vector.broadcast %add3A_497 : i32 to vector<16xi32>
          tpu.vector_store_idx %arg11[%add3A_450, %broadcast_in_dim3A_498], %gather3A_495 masked %and3A_440 : memref<384x128xf32, #tpu.memory_space<vmem>>[vector<16xi32>, vector<16xi32>], vector<16xf32>, vector<16xi1>
          %scan3A_499 = arith.constant 0 : i32
          scf.yield %scan3A_499 : i32
        }
        %scan3A_303 = arith.constant 24 : i32
        %lt3A_304 = arith.constant 47 : i32
        %lt3A_305 = arith.cmpi slt, %scan3A_143, %lt3A_304 : i32
        %convert_element_type3A_306 = arith.extui %lt3A_305 : i1 to i32
        %cond3A_307 = arith.constant 0 : i32
        %cond3A_308 = arith.cmpi ne, %convert_element_type3A_306, %cond3A_307 : i32
        scf.if %cond3A_308 {
          %mul3A_422 = arith.constant 2 : i32
          %mul3A_423 = arith.muli %mul3A_422, %scan3A_143 : i32
          %add3A_424 = arith.constant 2 : i32
          %add3A_425 = arith.addi %mul3A_423, %add3A_424 : i32
          %jit3A_426 = arith.constant 12 : i32
          %div3A_427 = arith.divsi %add3A_425, %jit3A_426 : i32
          %sign3A_428 = arith.constant 0 : i32
          %sign3A_429 = arith.cmpi sgt, %add3A_425, %sign3A_428 : i32
          %sign3A_430 = arith.extui %sign3A_429 : i1 to i32
          %sign3A_431 = arith.constant 0 : i32
          %sign3A_432 = arith.cmpi slt, %add3A_425, %sign3A_431 : i32
          %sign3A_433 = arith.extui %sign3A_432 : i1 to i32
          %sign3A_434 = arith.subi %sign3A_430, %sign3A_433 : i32
          %sign3A_435 = arith.constant 0 : i32
          %sign3A_436 = arith.cmpi sgt, %jit3A_426, %sign3A_435 : i32
          %sign3A_437 = arith.extui %sign3A_436 : i1 to i32
          %sign3A_438 = arith.constant 0 : i32
          %sign3A_439 = arith.cmpi slt, %jit3A_426, %sign3A_438 : i32
          %sign3A_440 = arith.extui %sign3A_439 : i1 to i32
          %sign3A_441 = arith.subi %sign3A_437, %sign3A_440 : i32
          %ne3A_442 = arith.cmpi ne, %sign3A_434, %sign3A_441 : i32
          %rem3A_443 = arith.remsi %add3A_425, %jit3A_426 : i32
          %ne3A_444 = arith.constant 0 : i32
          %ne3A_445 = arith.cmpi ne, %rem3A_443, %ne3A_444 : i32
          %and3A_446 = arith.andi %ne3A_442, %ne3A_445 : i1
          %sub3A_447 = arith.constant 1 : i32
          %sub3A_448 = arith.subi %div3A_427, %sub3A_447 : i32
          %select_n3A_449 = arith.select %and3A_446, %sub3A_448, %div3A_427 : i32
          %jit3A_450 = arith.constant 12 : i32
          %eq3A_451 = arith.constant 0 : i32
          %eq3A_452 = arith.cmpi eq, %jit3A_450, %eq3A_451 : i32
          %jit3A_453 = arith.constant 1 : i32
          %select_n3A_454 = arith.select %eq3A_452, %jit3A_453, %jit3A_450 : i32
          %rem3A_455 = arith.remsi %add3A_425, %select_n3A_454 : i32
          %ne3A_456 = arith.constant 0 : i32
          %ne3A_457 = arith.cmpi ne, %rem3A_455, %ne3A_456 : i32
          %lt3A_458 = arith.constant 0 : i32
          %lt3A_459 = arith.cmpi slt, %rem3A_455, %lt3A_458 : i32
          %lt3A_460 = arith.constant 0 : i32
          %lt3A_461 = arith.cmpi slt, %select_n3A_454, %lt3A_460 : i32
          %ne3A_462 = arith.xori %lt3A_459, %lt3A_461 : i1
          %and3A_463 = arith.andi %ne3A_462, %ne3A_457 : i1
          %add3A_464 = arith.addi %rem3A_455, %select_n3A_454 : i32
          %select_n3A_465 = arith.select %and3A_463, %add3A_464, %rem3A_455 : i32
          %mul3A_466 = arith.constant 2688 : i32
          %mul3A_467 = arith.muli %select_n3A_465, %mul3A_466 : i32
          %add3A_468 = arith.addi %mul3A_20, %mul3A_467 : i32
          %min3A_469 = arith.constant 997376 : i32
          %min3A_470 = arith.minsi %add3A_468, %min3A_469 : i32
          %dma_start3A_471 = arith.constant 0 : i32
          %dma_start3A_472 = tpu.memref_slice %arg2[%select_n3A_449, %dma_start3A_471, %min3A_470] : memref<8x8x1000000xf32, #tpu.memory_space<hbm>> -> memref<1x8x2688xf32, #tpu.memory_space<hbm>>
          %dma_start3A_473 = arith.constant 0 : i32
          %dma_start3A_474 = tpu.memref_slice %arg2[%select_n3A_449, %dma_start3A_473, %min3A_470] : memref<8x8x1000000xf32, #tpu.memory_space<hbm>> -> memref<1x8x2688xf32, #tpu.memory_space<hbm>>
          tpu.enqueue_dma source(%dma_start3A_474 : memref<1x8x2688xf32, #tpu.memory_space<hbm>>) target(%arg9 : memref<1x8x2688xf32, #tpu.memory_space<vmem>>) target_semaphore(%arg12 : memref<!tpu.dma_semaphore, #tpu.memory_space<semaphore_mem>>)
        } else {
        }
        %mul3A_309 = arith.constant 2 : i32
        %mul3A_310 = arith.muli %mul3A_309, %scan3A_143 : i32
        %add3A_311 = arith.constant 1 : i32
        %add3A_312 = arith.addi %mul3A_310, %add3A_311 : i32
        %jit3A_313 = arith.constant 12 : i32
        %div3A_314 = arith.divsi %add3A_312, %jit3A_313 : i32
        %sign3A_315 = arith.constant 0 : i32
        %sign3A_316 = arith.cmpi sgt, %add3A_312, %sign3A_315 : i32
        %sign3A_317 = arith.extui %sign3A_316 : i1 to i32
        %sign3A_318 = arith.constant 0 : i32
        %sign3A_319 = arith.cmpi slt, %add3A_312, %sign3A_318 : i32
        %sign3A_320 = arith.extui %sign3A_319 : i1 to i32
        %sign3A_321 = arith.subi %sign3A_317, %sign3A_320 : i32
        %sign3A_322 = arith.constant 0 : i32
        %sign3A_323 = arith.cmpi sgt, %jit3A_313, %sign3A_322 : i32
        %sign3A_324 = arith.extui %sign3A_323 : i1 to i32
        %sign3A_325 = arith.constant 0 : i32
        %sign3A_326 = arith.cmpi slt, %jit3A_313, %sign3A_325 : i32
        %sign3A_327 = arith.extui %sign3A_326 : i1 to i32
        %sign3A_328 = arith.subi %sign3A_324, %sign3A_327 : i32
        %ne3A_329 = arith.cmpi ne, %sign3A_321, %sign3A_328 : i32
        %rem3A_330 = arith.remsi %add3A_312, %jit3A_313 : i32
        %ne3A_331 = arith.constant 0 : i32
        %ne3A_332 = arith.cmpi ne, %rem3A_330, %ne3A_331 : i32
        %and3A_333 = arith.andi %ne3A_329, %ne3A_332 : i1
        %sub3A_334 = arith.constant 1 : i32
        %sub3A_335 = arith.subi %div3A_314, %sub3A_334 : i32
        %select_n3A_336 = arith.select %and3A_333, %sub3A_335, %div3A_314 : i32
        %jit3A_337 = arith.constant 12 : i32
        %eq3A_338 = arith.constant 0 : i32
        %eq3A_339 = arith.cmpi eq, %jit3A_337, %eq3A_338 : i32
        %jit3A_340 = arith.constant 1 : i32
        %select_n3A_341 = arith.select %eq3A_339, %jit3A_340, %jit3A_337 : i32
        %rem3A_342 = arith.remsi %add3A_312, %select_n3A_341 : i32
        %ne3A_343 = arith.constant 0 : i32
        %ne3A_344 = arith.cmpi ne, %rem3A_342, %ne3A_343 : i32
        %lt3A_345 = arith.constant 0 : i32
        %lt3A_346 = arith.cmpi slt, %rem3A_342, %lt3A_345 : i32
        %lt3A_347 = arith.constant 0 : i32
        %lt3A_348 = arith.cmpi slt, %select_n3A_341, %lt3A_347 : i32
        %ne3A_349 = arith.xori %lt3A_346, %lt3A_348 : i1
        %and3A_350 = arith.andi %ne3A_349, %ne3A_344 : i1
        %add3A_351 = arith.addi %rem3A_342, %select_n3A_341 : i32
        %select_n3A_352 = arith.select %and3A_350, %add3A_351, %rem3A_342 : i32
        %mul3A_353 = arith.constant 2688 : i32
        %mul3A_354 = arith.muli %select_n3A_352, %mul3A_353 : i32
        %add3A_355 = arith.addi %mul3A_20, %mul3A_354 : i32
        %min3A_356 = arith.constant 997376 : i32
        %min3A_357 = arith.minsi %add3A_355, %min3A_356 : i32
        %dma_wait3A_358 = arith.constant 0 : i32
        %dma_wait3A_359 = tpu.memref_slice %arg2[%select_n3A_336, %dma_wait3A_358, %min3A_357] : memref<8x8x1000000xf32, #tpu.memory_space<hbm>> -> memref<1x8x2688xf32, #tpu.memory_space<hbm>>
        %dma_wait3A_360 = arith.constant 0 : i32
        %dma_wait3A_361 = tpu.memref_slice %arg2[%select_n3A_336, %dma_wait3A_360, %min3A_357] : memref<8x8x1000000xf32, #tpu.memory_space<hbm>> -> memref<1x8x2688xf32, #tpu.memory_space<hbm>>
        tpu.wait_dma2 semaphore(%arg13 : memref<!tpu.dma_semaphore, #tpu.memory_space<semaphore_mem>>) src(%dma_wait3A_361 : memref<1x8x2688xf32, #tpu.memory_space<hbm>>) dst(%arg10 : memref<1x8x2688xf32, #tpu.memory_space<vmem>>)
        %mul3A_362 = arith.constant 2 : i32
        %mul3A_363 = arith.muli %mul3A_362, %scan3A_143 : i32
        %add3A_364 = arith.constant 1 : i32
        %add3A_365 = arith.addi %mul3A_363, %add3A_364 : i32
        %jit3A_366 = arith.constant 12 : i32
        %div3A_367 = arith.divsi %add3A_365, %jit3A_366 : i32
        %sign3A_368 = arith.constant 0 : i32
        %sign3A_369 = arith.cmpi sgt, %add3A_365, %sign3A_368 : i32
        %sign3A_370 = arith.extui %sign3A_369 : i1 to i32
        %sign3A_371 = arith.constant 0 : i32
        %sign3A_372 = arith.cmpi slt, %add3A_365, %sign3A_371 : i32
        %sign3A_373 = arith.extui %sign3A_372 : i1 to i32
        %sign3A_374 = arith.subi %sign3A_370, %sign3A_373 : i32
        %sign3A_375 = arith.constant 0 : i32
        %sign3A_376 = arith.cmpi sgt, %jit3A_366, %sign3A_375 : i32
        %sign3A_377 = arith.extui %sign3A_376 : i1 to i32
        %sign3A_378 = arith.constant 0 : i32
        %sign3A_379 = arith.cmpi slt, %jit3A_366, %sign3A_378 : i32
        %sign3A_380 = arith.extui %sign3A_379 : i1 to i32
        %sign3A_381 = arith.subi %sign3A_377, %sign3A_380 : i32
        %ne3A_382 = arith.cmpi ne, %sign3A_374, %sign3A_381 : i32
        %rem3A_383 = arith.remsi %add3A_365, %jit3A_366 : i32
        %ne3A_384 = arith.constant 0 : i32
        %ne3A_385 = arith.cmpi ne, %rem3A_383, %ne3A_384 : i32
        %and3A_386 = arith.andi %ne3A_382, %ne3A_385 : i1
        %sub3A_387 = arith.constant 1 : i32
        %sub3A_388 = arith.subi %div3A_367, %sub3A_387 : i32
        %select_n3A_389 = arith.select %and3A_386, %sub3A_388, %div3A_367 : i32
        %jit3A_390 = arith.constant 12 : i32
        %eq3A_391 = arith.constant 0 : i32
        %eq3A_392 = arith.cmpi eq, %jit3A_390, %eq3A_391 : i32
        %jit3A_393 = arith.constant 1 : i32
        %select_n3A_394 = arith.select %eq3A_392, %jit3A_393, %jit3A_390 : i32
        %rem3A_395 = arith.remsi %add3A_365, %select_n3A_394 : i32
        %ne3A_396 = arith.constant 0 : i32
        %ne3A_397 = arith.cmpi ne, %rem3A_395, %ne3A_396 : i32
        %lt3A_398 = arith.constant 0 : i32
        %lt3A_399 = arith.cmpi slt, %rem3A_395, %lt3A_398 : i32
        %lt3A_400 = arith.constant 0 : i32
        %lt3A_401 = arith.cmpi slt, %select_n3A_394, %lt3A_400 : i32
        %ne3A_402 = arith.xori %lt3A_399, %lt3A_401 : i1
        %and3A_403 = arith.andi %ne3A_402, %ne3A_397 : i1
        %add3A_404 = arith.addi %rem3A_395, %select_n3A_394 : i32
        %select_n3A_405 = arith.select %and3A_403, %add3A_404, %rem3A_395 : i32
        %mul3A_406 = arith.constant 2688 : i32
        %mul3A_407 = arith.muli %select_n3A_405, %mul3A_406 : i32
        %add3A_408 = arith.addi %mul3A_20, %mul3A_407 : i32
        %min3A_409 = arith.constant 997376 : i32
        %min3A_410 = arith.minsi %add3A_408, %min3A_409 : i32
        %sub3A_411 = arith.subi %min3A_410, %mul3A_20 : i32
        %mul3A_412 = arith.constant 8 : i32
        %mul3A_413 = arith.muli %select_n3A_389, %mul3A_412 : i32
        %scan3A_414 = arith.constant 0 : i32
        %scan3A_415 = arith.constant 0 : i32
        %scan3A_416 = arith.constant 24 : i32
        %scan3A_417 = arith.addi %scan3A_415, %scan3A_416 : i32
        %scan3A_418 = arith.constant 1 : i32
        %scan3A_419 = scf.for %scan3A_422 = %scan3A_415 to %scan3A_417 step %scan3A_418 iter_args(%scan3A_423 = %scan3A_414) -> (i32)  : i32 {
          %mul3A_424 = arith.constant 16 : i32
          %mul3A_425 = arith.muli %scan3A_422, %mul3A_424 : i32
          %add3A_426 = arith.addi %mul3A_124, %mul3A_425 : i32
          %add3A_427 = vector.broadcast %add3A_426 : i32 to vector<16xi32>
          %add3A_428 = arith.addi %add3A_427, %iota3A : vector<16xi32>
          %gather3A = tpu.vector_load_idx %arg7[%add3A_428] : memref<8448xi32, #tpu.memory_space<vmem>>[vector<16xi32>], vector<16xi32>,
          %sub3A_429 = vector.broadcast %sub3A_411 : i32 to vector<16xi32>
          %sub3A_430 = arith.subi %gather3A, %sub3A_429 : vector<16xi32>
          %ge3A = arith.constant 0 : i32
          %ge3A_431 = vector.broadcast %ge3A : i32 to vector<16xi32>
          %ge3A_432 = arith.cmpi sge, %gather3A, %ge3A_431 : vector<16xi32>
          %ge3A_433 = arith.constant 0 : i32
          %ge3A_434 = vector.broadcast %ge3A_433 : i32 to vector<16xi32>
          %ge3A_435 = arith.cmpi sge, %sub3A_430, %ge3A_434 : vector<16xi32>
          %and3A_436 = arith.andi %ge3A_432, %ge3A_435 : vector<16xi1>
          %lt3A_437 = arith.constant 2688 : i32
          %lt3A_438 = vector.broadcast %lt3A_437 : i32 to vector<16xi32>
          %lt3A_439 = arith.cmpi slt, %sub3A_430, %lt3A_438 : vector<16xi32>
          %and3A_440 = arith.andi %and3A_436, %lt3A_439 : vector<16xi1>
          %jit3A_441 = arith.constant 0 : i32
          %jit3A_442 = arith.constant 2687 : i32
          %max3A_443 = vector.broadcast %jit3A_441 : i32 to vector<16xi32>
          %max3A_444 = arith.maxsi %max3A_443, %sub3A_430 : vector<16xi32>
          %min3A_445 = vector.broadcast %jit3A_442 : i32 to vector<16xi32>
          %min3A_446 = arith.minsi %min3A_445, %max3A_444 : vector<16xi32>
          %mul3A_447 = arith.constant 16 : i32
          %mul3A_448 = arith.muli %scan3A_422, %mul3A_447 : i32
          %add3A_449 = vector.broadcast %mul3A_448 : i32 to vector<16xi32>
          %add3A_450 = arith.addi %add3A_449, %iota3A : vector<16xi32>
          %broadcast_in_dim3A_451 = arith.constant 0 : i32
          %broadcast_in_dim3A_452 = vector.broadcast %broadcast_in_dim3A_451 : i32 to vector<16xi32>
          %gather3A_453 = tpu.vector_load_idx %arg10[%broadcast_in_dim3A_109, %broadcast_in_dim3A_452, %min3A_446] masked %and3A_440 : memref<1x8x2688xf32, #tpu.memory_space<vmem>>[vector<16xi32>, vector<16xi32>, vector<16xi32>], vector<16xf32>, vector<16xi1>
          %add3A_454 = arith.constant 0 : i32
          %add3A_455 = arith.addi %mul3A_413, %add3A_454 : i32
          %broadcast_in_dim3A_456 = vector.broadcast %add3A_455 : i32 to vector<16xi32>
          tpu.vector_store_idx %arg11[%add3A_450, %broadcast_in_dim3A_456], %gather3A_453 masked %and3A_440 : memref<384x128xf32, #tpu.memory_space<vmem>>[vector<16xi32>, vector<16xi32>], vector<16xf32>, vector<16xi1>
          %broadcast_in_dim3A_457 = arith.constant 1 : i32
          %broadcast_in_dim3A_458 = vector.broadcast %broadcast_in_dim3A_457 : i32 to vector<16xi32>
          %gather3A_459 = tpu.vector_load_idx %arg10[%broadcast_in_dim3A_109, %broadcast_in_dim3A_458, %min3A_446] masked %and3A_440 : memref<1x8x2688xf32, #tpu.memory_space<vmem>>[vector<16xi32>, vector<16xi32>, vector<16xi32>], vector<16xf32>, vector<16xi1>
          %add3A_460 = arith.constant 1 : i32
          %add3A_461 = arith.addi %mul3A_413, %add3A_460 : i32
          %broadcast_in_dim3A_462 = vector.broadcast %add3A_461 : i32 to vector<16xi32>
          tpu.vector_store_idx %arg11[%add3A_450, %broadcast_in_dim3A_462], %gather3A_459 masked %and3A_440 : memref<384x128xf32, #tpu.memory_space<vmem>>[vector<16xi32>, vector<16xi32>], vector<16xf32>, vector<16xi1>
          %broadcast_in_dim3A_463 = arith.constant 2 : i32
          %broadcast_in_dim3A_464 = vector.broadcast %broadcast_in_dim3A_463 : i32 to vector<16xi32>
          %gather3A_465 = tpu.vector_load_idx %arg10[%broadcast_in_dim3A_109, %broadcast_in_dim3A_464, %min3A_446] masked %and3A_440 : memref<1x8x2688xf32, #tpu.memory_space<vmem>>[vector<16xi32>, vector<16xi32>, vector<16xi32>], vector<16xf32>, vector<16xi1>
          %add3A_466 = arith.constant 2 : i32
          %add3A_467 = arith.addi %mul3A_413, %add3A_466 : i32
          %broadcast_in_dim3A_468 = vector.broadcast %add3A_467 : i32 to vector<16xi32>
          tpu.vector_store_idx %arg11[%add3A_450, %broadcast_in_dim3A_468], %gather3A_465 masked %and3A_440 : memref<384x128xf32, #tpu.memory_space<vmem>>[vector<16xi32>, vector<16xi32>], vector<16xf32>, vector<16xi1>
          %broadcast_in_dim3A_469 = arith.constant 3 : i32
          %broadcast_in_dim3A_470 = vector.broadcast %broadcast_in_dim3A_469 : i32 to vector<16xi32>
          %gather3A_471 = tpu.vector_load_idx %arg10[%broadcast_in_dim3A_109, %broadcast_in_dim3A_470, %min3A_446] masked %and3A_440 : memref<1x8x2688xf32, #tpu.memory_space<vmem>>[vector<16xi32>, vector<16xi32>, vector<16xi32>], vector<16xf32>, vector<16xi1>
          %add3A_472 = arith.constant 3 : i32
          %add3A_473 = arith.addi %mul3A_413, %add3A_472 : i32
          %broadcast_in_dim3A_474 = vector.broadcast %add3A_473 : i32 to vector<16xi32>
          tpu.vector_store_idx %arg11[%add3A_450, %broadcast_in_dim3A_474], %gather3A_471 masked %and3A_440 : memref<384x128xf32, #tpu.memory_space<vmem>>[vector<16xi32>, vector<16xi32>], vector<16xf32>, vector<16xi1>
          %broadcast_in_dim3A_475 = arith.constant 4 : i32
          %broadcast_in_dim3A_476 = vector.broadcast %broadcast_in_dim3A_475 : i32 to vector<16xi32>
          %gather3A_477 = tpu.vector_load_idx %arg10[%broadcast_in_dim3A_109, %broadcast_in_dim3A_476, %min3A_446] masked %and3A_440 : memref<1x8x2688xf32, #tpu.memory_space<vmem>>[vector<16xi32>, vector<16xi32>, vector<16xi32>], vector<16xf32>, vector<16xi1>
          %add3A_478 = arith.constant 4 : i32
          %add3A_479 = arith.addi %mul3A_413, %add3A_478 : i32
          %broadcast_in_dim3A_480 = vector.broadcast %add3A_479 : i32 to vector<16xi32>
          tpu.vector_store_idx %arg11[%add3A_450, %broadcast_in_dim3A_480], %gather3A_477 masked %and3A_440 : memref<384x128xf32, #tpu.memory_space<vmem>>[vector<16xi32>, vector<16xi32>], vector<16xf32>, vector<16xi1>
          %broadcast_in_dim3A_481 = arith.constant 5 : i32
          %broadcast_in_dim3A_482 = vector.broadcast %broadcast_in_dim3A_481 : i32 to vector<16xi32>
          %gather3A_483 = tpu.vector_load_idx %arg10[%broadcast_in_dim3A_109, %broadcast_in_dim3A_482, %min3A_446] masked %and3A_440 : memref<1x8x2688xf32, #tpu.memory_space<vmem>>[vector<16xi32>, vector<16xi32>, vector<16xi32>], vector<16xf32>, vector<16xi1>
          %add3A_484 = arith.constant 5 : i32
          %add3A_485 = arith.addi %mul3A_413, %add3A_484 : i32
          %broadcast_in_dim3A_486 = vector.broadcast %add3A_485 : i32 to vector<16xi32>
          tpu.vector_store_idx %arg11[%add3A_450, %broadcast_in_dim3A_486], %gather3A_483 masked %and3A_440 : memref<384x128xf32, #tpu.memory_space<vmem>>[vector<16xi32>, vector<16xi32>], vector<16xf32>, vector<16xi1>
          %broadcast_in_dim3A_487 = arith.constant 6 : i32
          %broadcast_in_dim3A_488 = vector.broadcast %broadcast_in_dim3A_487 : i32 to vector<16xi32>
          %gather3A_489 = tpu.vector_load_idx %arg10[%broadcast_in_dim3A_109, %broadcast_in_dim3A_488, %min3A_446] masked %and3A_440 : memref<1x8x2688xf32, #tpu.memory_space<vmem>>[vector<16xi32>, vector<16xi32>, vector<16xi32>], vector<16xf32>, vector<16xi1>
          %add3A_490 = arith.constant 6 : i32
          %add3A_491 = arith.addi %mul3A_413, %add3A_490 : i32
          %broadcast_in_dim3A_492 = vector.broadcast %add3A_491 : i32 to vector<16xi32>
          tpu.vector_store_idx %arg11[%add3A_450, %broadcast_in_dim3A_492], %gather3A_489 masked %and3A_440 : memref<384x128xf32, #tpu.memory_space<vmem>>[vector<16xi32>, vector<16xi32>], vector<16xf32>, vector<16xi1>
          %broadcast_in_dim3A_493 = arith.constant 7 : i32
          %broadcast_in_dim3A_494 = vector.broadcast %broadcast_in_dim3A_493 : i32 to vector<16xi32>
          %gather3A_495 = tpu.vector_load_idx %arg10[%broadcast_in_dim3A_109, %broadcast_in_dim3A_494, %min3A_446] masked %and3A_440 : memref<1x8x2688xf32, #tpu.memory_space<vmem>>[vector<16xi32>, vector<16xi32>, vector<16xi32>], vector<16xf32>, vector<16xi1>
          %add3A_496 = arith.constant 7 : i32
          %add3A_497 = arith.addi %mul3A_413, %add3A_496 : i32
          %broadcast_in_dim3A_498 = vector.broadcast %add3A_497 : i32 to vector<16xi32>
          tpu.vector_store_idx %arg11[%add3A_450, %broadcast_in_dim3A_498], %gather3A_495 masked %and3A_440 : memref<384x128xf32, #tpu.memory_space<vmem>>[vector<16xi32>, vector<16xi32>], vector<16xf32>, vector<16xi1>
          %scan3A_499 = arith.constant 0 : i32
          scf.yield %scan3A_499 : i32
        }
        %scan3A_420 = arith.constant 24 : i32
        %scan3A_421 = arith.constant 0 : i32
        scf.yield %scan3A_421 : i32
      }
      %scan3A_133 = arith.constant 48 : i32
      %dma_start3A_134 = tpu.memref_slice %arg8[%mul3A_124] : memref<8448xi32, #tpu.memory_space<vmem>> -> memref<384xi32, #tpu.memory_space<vmem>>
      %dma_start3A_135 = arith.constant 0 : i32
      %dma_start3A_136 = arith.constant 0 : i32
      %dma_start3A_137 = tpu.memref_slice %arg5[%dma_start3A_135, %dma_start3A_136] : memref<8192x128xf32, #tpu.memory_space<hbm>> -> memref<8192x128xf32, #tpu.memory_space<hbm>>
      %dma_start3A_138 = arith.constant -1 : i32
      tpu.enqueue_indirect_dma source(%arg11 : memref<384x128xf32, #tpu.memory_space<vmem>>) target(%dma_start3A_137 : memref<8192x128xf32, #tpu.memory_space<hbm>>) offsets(%dma_start3A_134 : memref<384xi32, #tpu.memory_space<vmem>>) offset_filter(%dma_start3A_138) semaphore(%arg14 : memref<!tpu.dma_semaphore, #tpu.memory_space<semaphore_mem>>)
      %dma_wait3A = tpu.memref_slice %arg8[%mul3A_124] : memref<8448xi32, #tpu.memory_space<vmem>> -> memref<384xi32, #tpu.memory_space<vmem>>
      %dma_wait3A_139 = arith.constant 0 : i32
      %dma_wait3A_140 = arith.constant 0 : i32
      %dma_wait3A_141 = tpu.memref_slice %arg5[%dma_wait3A_139, %dma_wait3A_140] : memref<8192x128xf32, #tpu.memory_space<hbm>> -> memref<8192x128xf32, #tpu.memory_space<hbm>>
      tpu.wait_indirect_dma semaphore(%arg14 : memref<!tpu.dma_semaphore, #tpu.memory_space<semaphore_mem>>) src(%arg11 : memref<384x128xf32, #tpu.memory_space<vmem>>) dst(%dma_wait3A_141 : memref<8192x128xf32, #tpu.memory_space<hbm>>)
      %while3A_142 = arith.constant 0 : i32
      scf.yield %while3A_142 : i32
    }
    %while3A_119 = arith.constant 1 : i32
    %while3A_120 = scf.for %while3A_121 = %while3A_116 to %while3A_112 step %while3A_119 iter_args(%while3A_122 = %while3A_118) -> (i32)  : i32 {
      %mul3A_123 = arith.constant 384 : i32
      %mul3A_124 = arith.muli %while3A_121, %mul3A_123 : i32
      %gt3A = arith.constant 0 : i32
      %gt3A_125 = arith.cmpi sgt, %while3A_121, %gt3A : i32
      %convert_element_type3A = arith.extui %gt3A_125 : i1 to i32
      %cond3A = arith.constant 0 : i32
      %cond3A_126 = arith.cmpi ne, %convert_element_type3A, %cond3A : i32
      scf.if %cond3A_126 {
        %add3A_143 = arith.constant 0 : i32
        %add3A_144 = arith.addi %mul3A_20, %add3A_143 : i32
        %min3A = arith.constant 997376 : i32
        %min3A_145 = arith.minsi %add3A_144, %min3A : i32
        %dma_start3A_146 = arith.constant 0 : i32
        %dma_start3A_147 = arith.constant 0 : i32
        %dma_start3A_148 = tpu.memref_slice %arg2[%dma_start3A_146, %dma_start3A_147, %min3A_145] : memref<8x8x1000000xf32, #tpu.memory_space<hbm>> -> memref<1x8x2688xf32, #tpu.memory_space<hbm>>
        %dma_start3A_149 = arith.constant 0 : i32
        %dma_start3A_150 = arith.constant 0 : i32
        %dma_start3A_151 = tpu.memref_slice %arg2[%dma_start3A_149, %dma_start3A_150, %min3A_145] : memref<8x8x1000000xf32, #tpu.memory_space<hbm>> -> memref<1x8x2688xf32, #tpu.memory_space<hbm>>
        tpu.enqueue_dma source(%dma_start3A_151 : memref<1x8x2688xf32, #tpu.memory_space<hbm>>) target(%arg9 : memref<1x8x2688xf32, #tpu.memory_space<vmem>>) target_semaphore(%arg12 : memref<!tpu.dma_semaphore, #tpu.memory_space<semaphore_mem>>)
      } else {
      }
      %scan3A_127 = arith.constant 0 : i32
      %scan3A_128 = arith.constant 0 : i32
      %scan3A_129 = arith.constant 48 : i32
      %scan3A_130 = arith.addi %scan3A_128, %scan3A_129 : i32
      %scan3A_131 = arith.constant 1 : i32
      %scan3A_132 = scf.for %scan3A_143 = %scan3A_128 to %scan3A_130 step %scan3A_131 iter_args(%scan3A_144 = %scan3A_127) -> (i32)  : i32 {
        %mul3A_145 = arith.constant 2 : i32
        %mul3A_146 = arith.muli %mul3A_145, %scan3A_143 : i32
        %add3A_147 = arith.constant 1 : i32
        %add3A_148 = arith.addi %mul3A_146, %add3A_147 : i32
        %jit3A_149 = arith.constant 12 : i32
        %div3A_150 = arith.divsi %add3A_148, %jit3A_149 : i32
        %sign3A_151 = arith.constant 0 : i32
        %sign3A_152 = arith.cmpi sgt, %add3A_148, %sign3A_151 : i32
        %sign3A_153 = arith.extui %sign3A_152 : i1 to i32
        %sign3A_154 = arith.constant 0 : i32
        %sign3A_155 = arith.cmpi slt, %add3A_148, %sign3A_154 : i32
        %sign3A_156 = arith.extui %sign3A_155 : i1 to i32
        %sign3A_157 = arith.subi %sign3A_153, %sign3A_156 : i32
        %sign3A_158 = arith.constant 0 : i32
        %sign3A_159 = arith.cmpi sgt, %jit3A_149, %sign3A_158 : i32
        %sign3A_160 = arith.extui %sign3A_159 : i1 to i32
        %sign3A_161 = arith.constant 0 : i32
        %sign3A_162 = arith.cmpi slt, %jit3A_149, %sign3A_161 : i32
        %sign3A_163 = arith.extui %sign3A_162 : i1 to i32
        %sign3A_164 = arith.subi %sign3A_160, %sign3A_163 : i32
        %ne3A_165 = arith.cmpi ne, %sign3A_157, %sign3A_164 : i32
        %rem3A_166 = arith.remsi %add3A_148, %jit3A_149 : i32
        %ne3A_167 = arith.constant 0 : i32
        %ne3A_168 = arith.cmpi ne, %rem3A_166, %ne3A_167 : i32
        %and3A_169 = arith.andi %ne3A_165, %ne3A_168 : i1
        %sub3A_170 = arith.constant 1 : i32
        %sub3A_171 = arith.subi %div3A_150, %sub3A_170 : i32
        %select_n3A_172 = arith.select %and3A_169, %sub3A_171, %div3A_150 : i32
        %jit3A_173 = arith.constant 12 : i32
        %eq3A_174 = arith.constant 0 : i32
        %eq3A_175 = arith.cmpi eq, %jit3A_173, %eq3A_174 : i32
        %jit3A_176 = arith.constant 1 : i32
        %select_n3A_177 = arith.select %eq3A_175, %jit3A_176, %jit3A_173 : i32
        %rem3A_178 = arith.remsi %add3A_148, %select_n3A_177 : i32
        %ne3A_179 = arith.constant 0 : i32
        %ne3A_180 = arith.cmpi ne, %rem3A_178, %ne3A_179 : i32
        %lt3A = arith.constant 0 : i32
        %lt3A_181 = arith.cmpi slt, %rem3A_178, %lt3A : i32
        %lt3A_182 = arith.constant 0 : i32
        %lt3A_183 = arith.cmpi slt, %select_n3A_177, %lt3A_182 : i32
        %ne3A_184 = arith.xori %lt3A_181, %lt3A_183 : i1
        %and3A_185 = arith.andi %ne3A_184, %ne3A_180 : i1
        %add3A_186 = arith.addi %rem3A_178, %select_n3A_177 : i32
        %select_n3A_187 = arith.select %and3A_185, %add3A_186, %rem3A_178 : i32
        %mul3A_188 = arith.constant 2688 : i32
        %mul3A_189 = arith.muli %select_n3A_187, %mul3A_188 : i32
        %add3A_190 = arith.addi %mul3A_20, %mul3A_189 : i32
        %min3A = arith.constant 997376 : i32
        %min3A_191 = arith.minsi %add3A_190, %min3A : i32
        %dma_start3A_192 = arith.constant 0 : i32
        %dma_start3A_193 = tpu.memref_slice %arg2[%select_n3A_172, %dma_start3A_192, %min3A_191] : memref<8x8x1000000xf32, #tpu.memory_space<hbm>> -> memref<1x8x2688xf32, #tpu.memory_space<hbm>>
        %dma_start3A_194 = arith.constant 0 : i32
        %dma_start3A_195 = tpu.memref_slice %arg2[%select_n3A_172, %dma_start3A_194, %min3A_191] : memref<8x8x1000000xf32, #tpu.memory_space<hbm>> -> memref<1x8x2688xf32, #tpu.memory_space<hbm>>
        tpu.enqueue_dma source(%dma_start3A_195 : memref<1x8x2688xf32, #tpu.memory_space<hbm>>) target(%arg10 : memref<1x8x2688xf32, #tpu.memory_space<vmem>>) target_semaphore(%arg13 : memref<!tpu.dma_semaphore, #tpu.memory_space<semaphore_mem>>)
        %mul3A_196 = arith.constant 2 : i32
        %mul3A_197 = arith.muli %mul3A_196, %scan3A_143 : i32
        %jit3A_198 = arith.constant 12 : i32
        %div3A_199 = arith.divsi %mul3A_197, %jit3A_198 : i32
        %sign3A_200 = arith.constant 0 : i32
        %sign3A_201 = arith.cmpi sgt, %mul3A_197, %sign3A_200 : i32
        %sign3A_202 = arith.extui %sign3A_201 : i1 to i32
        %sign3A_203 = arith.constant 0 : i32
        %sign3A_204 = arith.cmpi slt, %mul3A_197, %sign3A_203 : i32
        %sign3A_205 = arith.extui %sign3A_204 : i1 to i32
        %sign3A_206 = arith.subi %sign3A_202, %sign3A_205 : i32
        %sign3A_207 = arith.constant 0 : i32
        %sign3A_208 = arith.cmpi sgt, %jit3A_198, %sign3A_207 : i32
        %sign3A_209 = arith.extui %sign3A_208 : i1 to i32
        %sign3A_210 = arith.constant 0 : i32
        %sign3A_211 = arith.cmpi slt, %jit3A_198, %sign3A_210 : i32
        %sign3A_212 = arith.extui %sign3A_211 : i1 to i32
        %sign3A_213 = arith.subi %sign3A_209, %sign3A_212 : i32
        %ne3A_214 = arith.cmpi ne, %sign3A_206, %sign3A_213 : i32
        %rem3A_215 = arith.remsi %mul3A_197, %jit3A_198 : i32
        %ne3A_216 = arith.constant 0 : i32
        %ne3A_217 = arith.cmpi ne, %rem3A_215, %ne3A_216 : i32
        %and3A_218 = arith.andi %ne3A_214, %ne3A_217 : i1
        %sub3A_219 = arith.constant 1 : i32
        %sub3A_220 = arith.subi %div3A_199, %sub3A_219 : i32
        %select_n3A_221 = arith.select %and3A_218, %sub3A_220, %div3A_199 : i32
        %jit3A_222 = arith.constant 12 : i32
        %eq3A_223 = arith.constant 0 : i32
        %eq3A_224 = arith.cmpi eq, %jit3A_222, %eq3A_223 : i32
        %jit3A_225 = arith.constant 1 : i32
        %select_n3A_226 = arith.select %eq3A_224, %jit3A_225, %jit3A_222 : i32
        %rem3A_227 = arith.remsi %mul3A_197, %select_n3A_226 : i32
        %ne3A_228 = arith.constant 0 : i32
        %ne3A_229 = arith.cmpi ne, %rem3A_227, %ne3A_228 : i32
        %lt3A_230 = arith.constant 0 : i32
        %lt3A_231 = arith.cmpi slt, %rem3A_227, %lt3A_230 : i32
        %lt3A_232 = arith.constant 0 : i32
        %lt3A_233 = arith.cmpi slt, %select_n3A_226, %lt3A_232 : i32
        %ne3A_234 = arith.xori %lt3A_231, %lt3A_233 : i1
        %and3A_235 = arith.andi %ne3A_234, %ne3A_229 : i1
        %add3A_236 = arith.addi %rem3A_227, %select_n3A_226 : i32
        %select_n3A_237 = arith.select %and3A_235, %add3A_236, %rem3A_227 : i32
        %mul3A_238 = arith.constant 2688 : i32
        %mul3A_239 = arith.muli %select_n3A_237, %mul3A_238 : i32
        %add3A_240 = arith.addi %mul3A_20, %mul3A_239 : i32
        %min3A_241 = arith.constant 997376 : i32
        %min3A_242 = arith.minsi %add3A_240, %min3A_241 : i32
        %dma_wait3A_243 = arith.constant 0 : i32
        %dma_wait3A_244 = tpu.memref_slice %arg2[%select_n3A_221, %dma_wait3A_243, %min3A_242] : memref<8x8x1000000xf32, #tpu.memory_space<hbm>> -> memref<1x8x2688xf32, #tpu.memory_space<hbm>>
        %dma_wait3A_245 = arith.constant 0 : i32
        %dma_wait3A_246 = tpu.memref_slice %arg2[%select_n3A_221, %dma_wait3A_245, %min3A_242] : memref<8x8x1000000xf32, #tpu.memory_space<hbm>> -> memref<1x8x2688xf32, #tpu.memory_space<hbm>>
        tpu.wait_dma2 semaphore(%arg12 : memref<!tpu.dma_semaphore, #tpu.memory_space<semaphore_mem>>) src(%dma_wait3A_246 : memref<1x8x2688xf32, #tpu.memory_space<hbm>>) dst(%arg9 : memref<1x8x2688xf32, #tpu.memory_space<vmem>>)
        %mul3A_247 = arith.constant 2 : i32
        %mul3A_248 = arith.muli %mul3A_247, %scan3A_143 : i32
        %jit3A_249 = arith.constant 12 : i32
        %div3A_250 = arith.divsi %mul3A_248, %jit3A_249 : i32
        %sign3A_251 = arith.constant 0 : i32
        %sign3A_252 = arith.cmpi sgt, %mul3A_248, %sign3A_251 : i32
        %sign3A_253 = arith.extui %sign3A_252 : i1 to i32
        %sign3A_254 = arith.constant 0 : i32
        %sign3A_255 = arith.cmpi slt, %mul3A_248, %sign3A_254 : i32
        %sign3A_256 = arith.extui %sign3A_255 : i1 to i32
        %sign3A_257 = arith.subi %sign3A_253, %sign3A_256 : i32
        %sign3A_258 = arith.constant 0 : i32
        %sign3A_259 = arith.cmpi sgt, %jit3A_249, %sign3A_258 : i32
        %sign3A_260 = arith.extui %sign3A_259 : i1 to i32
        %sign3A_261 = arith.constant 0 : i32
        %sign3A_262 = arith.cmpi slt, %jit3A_249, %sign3A_261 : i32
        %sign3A_263 = arith.extui %sign3A_262 : i1 to i32
        %sign3A_264 = arith.subi %sign3A_260, %sign3A_263 : i32
        %ne3A_265 = arith.cmpi ne, %sign3A_257, %sign3A_264 : i32
        %rem3A_266 = arith.remsi %mul3A_248, %jit3A_249 : i32
        %ne3A_267 = arith.constant 0 : i32
        %ne3A_268 = arith.cmpi ne, %rem3A_266, %ne3A_267 : i32
        %and3A_269 = arith.andi %ne3A_265, %ne3A_268 : i1
        %sub3A_270 = arith.constant 1 : i32
        %sub3A_271 = arith.subi %div3A_250, %sub3A_270 : i32
        %select_n3A_272 = arith.select %and3A_269, %sub3A_271, %div3A_250 : i32
        %jit3A_273 = arith.constant 12 : i32
        %eq3A_274 = arith.constant 0 : i32
        %eq3A_275 = arith.cmpi eq, %jit3A_273, %eq3A_274 : i32
        %jit3A_276 = arith.constant 1 : i32
        %select_n3A_277 = arith.select %eq3A_275, %jit3A_276, %jit3A_273 : i32
        %rem3A_278 = arith.remsi %mul3A_248, %select_n3A_277 : i32
        %ne3A_279 = arith.constant 0 : i32
        %ne3A_280 = arith.cmpi ne, %rem3A_278, %ne3A_279 : i32
        %lt3A_281 = arith.constant 0 : i32
        %lt3A_282 = arith.cmpi slt, %rem3A_278, %lt3A_281 : i32
        %lt3A_283 = arith.constant 0 : i32
        %lt3A_284 = arith.cmpi slt, %select_n3A_277, %lt3A_283 : i32
        %ne3A_285 = arith.xori %lt3A_282, %lt3A_284 : i1
        %and3A_286 = arith.andi %ne3A_285, %ne3A_280 : i1
        %add3A_287 = arith.addi %rem3A_278, %select_n3A_277 : i32
        %select_n3A_288 = arith.select %and3A_286, %add3A_287, %rem3A_278 : i32
        %mul3A_289 = arith.constant 2688 : i32
        %mul3A_290 = arith.muli %select_n3A_288, %mul3A_289 : i32
        %add3A_291 = arith.addi %mul3A_20, %mul3A_290 : i32
        %min3A_292 = arith.constant 997376 : i32
        %min3A_293 = arith.minsi %add3A_291, %min3A_292 : i32
        %sub3A_294 = arith.subi %min3A_293, %mul3A_20 : i32
        %mul3A_295 = arith.constant 8 : i32
        %mul3A_296 = arith.muli %select_n3A_272, %mul3A_295 : i32
        %scan3A_297 = arith.constant 0 : i32
        %scan3A_298 = arith.constant 0 : i32
        %scan3A_299 = arith.constant 24 : i32
        %scan3A_300 = arith.addi %scan3A_298, %scan3A_299 : i32
        %scan3A_301 = arith.constant 1 : i32
        %scan3A_302 = scf.for %scan3A_422 = %scan3A_298 to %scan3A_300 step %scan3A_301 iter_args(%scan3A_423 = %scan3A_297) -> (i32)  : i32 {
          %mul3A_424 = arith.constant 16 : i32
          %mul3A_425 = arith.muli %scan3A_422, %mul3A_424 : i32
          %add3A_426 = arith.addi %mul3A_124, %mul3A_425 : i32
          %add3A_427 = vector.broadcast %add3A_426 : i32 to vector<16xi32>
          %add3A_428 = arith.addi %add3A_427, %iota3A : vector<16xi32>
          %gather3A = tpu.vector_load_idx %arg7[%add3A_428] : memref<8448xi32, #tpu.memory_space<vmem>>[vector<16xi32>], vector<16xi32>,
          %sub3A_429 = vector.broadcast %sub3A_294 : i32 to vector<16xi32>
          %sub3A_430 = arith.subi %gather3A, %sub3A_429 : vector<16xi32>
          %ge3A = arith.constant 0 : i32
          %ge3A_431 = vector.broadcast %ge3A : i32 to vector<16xi32>
          %ge3A_432 = arith.cmpi sge, %gather3A, %ge3A_431 : vector<16xi32>
          %ge3A_433 = arith.constant 0 : i32
          %ge3A_434 = vector.broadcast %ge3A_433 : i32 to vector<16xi32>
          %ge3A_435 = arith.cmpi sge, %sub3A_430, %ge3A_434 : vector<16xi32>
          %and3A_436 = arith.andi %ge3A_432, %ge3A_435 : vector<16xi1>
          %lt3A_437 = arith.constant 2688 : i32
          %lt3A_438 = vector.broadcast %lt3A_437 : i32 to vector<16xi32>
          %lt3A_439 = arith.cmpi slt, %sub3A_430, %lt3A_438 : vector<16xi32>
          %and3A_440 = arith.andi %and3A_436, %lt3A_439 : vector<16xi1>
          %jit3A_441 = arith.constant 0 : i32
          %jit3A_442 = arith.constant 2687 : i32
          %max3A_443 = vector.broadcast %jit3A_441 : i32 to vector<16xi32>
          %max3A_444 = arith.maxsi %max3A_443, %sub3A_430 : vector<16xi32>
          %min3A_445 = vector.broadcast %jit3A_442 : i32 to vector<16xi32>
          %min3A_446 = arith.minsi %min3A_445, %max3A_444 : vector<16xi32>
          %mul3A_447 = arith.constant 16 : i32
          %mul3A_448 = arith.muli %scan3A_422, %mul3A_447 : i32
          %add3A_449 = vector.broadcast %mul3A_448 : i32 to vector<16xi32>
          %add3A_450 = arith.addi %add3A_449, %iota3A : vector<16xi32>
          %broadcast_in_dim3A_451 = arith.constant 0 : i32
          %broadcast_in_dim3A_452 = vector.broadcast %broadcast_in_dim3A_451 : i32 to vector<16xi32>
          %gather3A_453 = tpu.vector_load_idx %arg9[%broadcast_in_dim3A_109, %broadcast_in_dim3A_452, %min3A_446] masked %and3A_440 : memref<1x8x2688xf32, #tpu.memory_space<vmem>>[vector<16xi32>, vector<16xi32>, vector<16xi32>], vector<16xf32>, vector<16xi1>
          %add3A_454 = arith.constant 0 : i32
          %add3A_455 = arith.addi %mul3A_296, %add3A_454 : i32
          %broadcast_in_dim3A_456 = vector.broadcast %add3A_455 : i32 to vector<16xi32>
          tpu.vector_store_idx %arg11[%add3A_450, %broadcast_in_dim3A_456], %gather3A_453 masked %and3A_440 : memref<384x128xf32, #tpu.memory_space<vmem>>[vector<16xi32>, vector<16xi32>], vector<16xf32>, vector<16xi1>
          %broadcast_in_dim3A_457 = arith.constant 1 : i32
          %broadcast_in_dim3A_458 = vector.broadcast %broadcast_in_dim3A_457 : i32 to vector<16xi32>
          %gather3A_459 = tpu.vector_load_idx %arg9[%broadcast_in_dim3A_109, %broadcast_in_dim3A_458, %min3A_446] masked %and3A_440 : memref<1x8x2688xf32, #tpu.memory_space<vmem>>[vector<16xi32>, vector<16xi32>, vector<16xi32>], vector<16xf32>, vector<16xi1>
          %add3A_460 = arith.constant 1 : i32
          %add3A_461 = arith.addi %mul3A_296, %add3A_460 : i32
          %broadcast_in_dim3A_462 = vector.broadcast %add3A_461 : i32 to vector<16xi32>
          tpu.vector_store_idx %arg11[%add3A_450, %broadcast_in_dim3A_462], %gather3A_459 masked %and3A_440 : memref<384x128xf32, #tpu.memory_space<vmem>>[vector<16xi32>, vector<16xi32>], vector<16xf32>, vector<16xi1>
          %broadcast_in_dim3A_463 = arith.constant 2 : i32
          %broadcast_in_dim3A_464 = vector.broadcast %broadcast_in_dim3A_463 : i32 to vector<16xi32>
          %gather3A_465 = tpu.vector_load_idx %arg9[%broadcast_in_dim3A_109, %broadcast_in_dim3A_464, %min3A_446] masked %and3A_440 : memref<1x8x2688xf32, #tpu.memory_space<vmem>>[vector<16xi32>, vector<16xi32>, vector<16xi32>], vector<16xf32>, vector<16xi1>
          %add3A_466 = arith.constant 2 : i32
          %add3A_467 = arith.addi %mul3A_296, %add3A_466 : i32
          %broadcast_in_dim3A_468 = vector.broadcast %add3A_467 : i32 to vector<16xi32>
          tpu.vector_store_idx %arg11[%add3A_450, %broadcast_in_dim3A_468], %gather3A_465 masked %and3A_440 : memref<384x128xf32, #tpu.memory_space<vmem>>[vector<16xi32>, vector<16xi32>], vector<16xf32>, vector<16xi1>
          %broadcast_in_dim3A_469 = arith.constant 3 : i32
          %broadcast_in_dim3A_470 = vector.broadcast %broadcast_in_dim3A_469 : i32 to vector<16xi32>
          %gather3A_471 = tpu.vector_load_idx %arg9[%broadcast_in_dim3A_109, %broadcast_in_dim3A_470, %min3A_446] masked %and3A_440 : memref<1x8x2688xf32, #tpu.memory_space<vmem>>[vector<16xi32>, vector<16xi32>, vector<16xi32>], vector<16xf32>, vector<16xi1>
          %add3A_472 = arith.constant 3 : i32
          %add3A_473 = arith.addi %mul3A_296, %add3A_472 : i32
          %broadcast_in_dim3A_474 = vector.broadcast %add3A_473 : i32 to vector<16xi32>
          tpu.vector_store_idx %arg11[%add3A_450, %broadcast_in_dim3A_474], %gather3A_471 masked %and3A_440 : memref<384x128xf32, #tpu.memory_space<vmem>>[vector<16xi32>, vector<16xi32>], vector<16xf32>, vector<16xi1>
          %broadcast_in_dim3A_475 = arith.constant 4 : i32
          %broadcast_in_dim3A_476 = vector.broadcast %broadcast_in_dim3A_475 : i32 to vector<16xi32>
          %gather3A_477 = tpu.vector_load_idx %arg9[%broadcast_in_dim3A_109, %broadcast_in_dim3A_476, %min3A_446] masked %and3A_440 : memref<1x8x2688xf32, #tpu.memory_space<vmem>>[vector<16xi32>, vector<16xi32>, vector<16xi32>], vector<16xf32>, vector<16xi1>
          %add3A_478 = arith.constant 4 : i32
          %add3A_479 = arith.addi %mul3A_296, %add3A_478 : i32
          %broadcast_in_dim3A_480 = vector.broadcast %add3A_479 : i32 to vector<16xi32>
          tpu.vector_store_idx %arg11[%add3A_450, %broadcast_in_dim3A_480], %gather3A_477 masked %and3A_440 : memref<384x128xf32, #tpu.memory_space<vmem>>[vector<16xi32>, vector<16xi32>], vector<16xf32>, vector<16xi1>
          %broadcast_in_dim3A_481 = arith.constant 5 : i32
          %broadcast_in_dim3A_482 = vector.broadcast %broadcast_in_dim3A_481 : i32 to vector<16xi32>
          %gather3A_483 = tpu.vector_load_idx %arg9[%broadcast_in_dim3A_109, %broadcast_in_dim3A_482, %min3A_446] masked %and3A_440 : memref<1x8x2688xf32, #tpu.memory_space<vmem>>[vector<16xi32>, vector<16xi32>, vector<16xi32>], vector<16xf32>, vector<16xi1>
          %add3A_484 = arith.constant 5 : i32
          %add3A_485 = arith.addi %mul3A_296, %add3A_484 : i32
          %broadcast_in_dim3A_486 = vector.broadcast %add3A_485 : i32 to vector<16xi32>
          tpu.vector_store_idx %arg11[%add3A_450, %broadcast_in_dim3A_486], %gather3A_483 masked %and3A_440 : memref<384x128xf32, #tpu.memory_space<vmem>>[vector<16xi32>, vector<16xi32>], vector<16xf32>, vector<16xi1>
          %broadcast_in_dim3A_487 = arith.constant 6 : i32
          %broadcast_in_dim3A_488 = vector.broadcast %broadcast_in_dim3A_487 : i32 to vector<16xi32>
          %gather3A_489 = tpu.vector_load_idx %arg9[%broadcast_in_dim3A_109, %broadcast_in_dim3A_488, %min3A_446] masked %and3A_440 : memref<1x8x2688xf32, #tpu.memory_space<vmem>>[vector<16xi32>, vector<16xi32>, vector<16xi32>], vector<16xf32>, vector<16xi1>
          %add3A_490 = arith.constant 6 : i32
          %add3A_491 = arith.addi %mul3A_296, %add3A_490 : i32
          %broadcast_in_dim3A_492 = vector.broadcast %add3A_491 : i32 to vector<16xi32>
          tpu.vector_store_idx %arg11[%add3A_450, %broadcast_in_dim3A_492], %gather3A_489 masked %and3A_440 : memref<384x128xf32, #tpu.memory_space<vmem>>[vector<16xi32>, vector<16xi32>], vector<16xf32>, vector<16xi1>
          %broadcast_in_dim3A_493 = arith.constant 7 : i32
          %broadcast_in_dim3A_494 = vector.broadcast %broadcast_in_dim3A_493 : i32 to vector<16xi32>
          %gather3A_495 = tpu.vector_load_idx %arg9[%broadcast_in_dim3A_109, %broadcast_in_dim3A_494, %min3A_446] masked %and3A_440 : memref<1x8x2688xf32, #tpu.memory_space<vmem>>[vector<16xi32>, vector<16xi32>, vector<16xi32>], vector<16xf32>, vector<16xi1>
          %add3A_496 = arith.constant 7 : i32
          %add3A_497 = arith.addi %mul3A_296, %add3A_496 : i32
          %broadcast_in_dim3A_498 = vector.broadcast %add3A_497 : i32 to vector<16xi32>
          tpu.vector_store_idx %arg11[%add3A_450, %broadcast_in_dim3A_498], %gather3A_495 masked %and3A_440 : memref<384x128xf32, #tpu.memory_space<vmem>>[vector<16xi32>, vector<16xi32>], vector<16xf32>, vector<16xi1>
          %scan3A_499 = arith.constant 0 : i32
          scf.yield %scan3A_499 : i32
        }
        %scan3A_303 = arith.constant 24 : i32
        %lt3A_304 = arith.constant 47 : i32
        %lt3A_305 = arith.cmpi slt, %scan3A_143, %lt3A_304 : i32
        %convert_element_type3A_306 = arith.extui %lt3A_305 : i1 to i32
        %cond3A_307 = arith.constant 0 : i32
        %cond3A_308 = arith.cmpi ne, %convert_element_type3A_306, %cond3A_307 : i32
        scf.if %cond3A_308 {
          %mul3A_422 = arith.constant 2 : i32
          %mul3A_423 = arith.muli %mul3A_422, %scan3A_143 : i32
          %add3A_424 = arith.constant 2 : i32
          %add3A_425 = arith.addi %mul3A_423, %add3A_424 : i32
          %jit3A_426 = arith.constant 12 : i32
          %div3A_427 = arith.divsi %add3A_425, %jit3A_426 : i32
          %sign3A_428 = arith.constant 0 : i32
          %sign3A_429 = arith.cmpi sgt, %add3A_425, %sign3A_428 : i32
          %sign3A_430 = arith.extui %sign3A_429 : i1 to i32
          %sign3A_431 = arith.constant 0 : i32
          %sign3A_432 = arith.cmpi slt, %add3A_425, %sign3A_431 : i32
          %sign3A_433 = arith.extui %sign3A_432 : i1 to i32
          %sign3A_434 = arith.subi %sign3A_430, %sign3A_433 : i32
          %sign3A_435 = arith.constant 0 : i32
          %sign3A_436 = arith.cmpi sgt, %jit3A_426, %sign3A_435 : i32
          %sign3A_437 = arith.extui %sign3A_436 : i1 to i32
          %sign3A_438 = arith.constant 0 : i32
          %sign3A_439 = arith.cmpi slt, %jit3A_426, %sign3A_438 : i32
          %sign3A_440 = arith.extui %sign3A_439 : i1 to i32
          %sign3A_441 = arith.subi %sign3A_437, %sign3A_440 : i32
          %ne3A_442 = arith.cmpi ne, %sign3A_434, %sign3A_441 : i32
          %rem3A_443 = arith.remsi %add3A_425, %jit3A_426 : i32
          %ne3A_444 = arith.constant 0 : i32
          %ne3A_445 = arith.cmpi ne, %rem3A_443, %ne3A_444 : i32
          %and3A_446 = arith.andi %ne3A_442, %ne3A_445 : i1
          %sub3A_447 = arith.constant 1 : i32
          %sub3A_448 = arith.subi %div3A_427, %sub3A_447 : i32
          %select_n3A_449 = arith.select %and3A_446, %sub3A_448, %div3A_427 : i32
          %jit3A_450 = arith.constant 12 : i32
          %eq3A_451 = arith.constant 0 : i32
          %eq3A_452 = arith.cmpi eq, %jit3A_450, %eq3A_451 : i32
          %jit3A_453 = arith.constant 1 : i32
          %select_n3A_454 = arith.select %eq3A_452, %jit3A_453, %jit3A_450 : i32
          %rem3A_455 = arith.remsi %add3A_425, %select_n3A_454 : i32
          %ne3A_456 = arith.constant 0 : i32
          %ne3A_457 = arith.cmpi ne, %rem3A_455, %ne3A_456 : i32
          %lt3A_458 = arith.constant 0 : i32
          %lt3A_459 = arith.cmpi slt, %rem3A_455, %lt3A_458 : i32
          %lt3A_460 = arith.constant 0 : i32
          %lt3A_461 = arith.cmpi slt, %select_n3A_454, %lt3A_460 : i32
          %ne3A_462 = arith.xori %lt3A_459, %lt3A_461 : i1
          %and3A_463 = arith.andi %ne3A_462, %ne3A_457 : i1
          %add3A_464 = arith.addi %rem3A_455, %select_n3A_454 : i32
          %select_n3A_465 = arith.select %and3A_463, %add3A_464, %rem3A_455 : i32
          %mul3A_466 = arith.constant 2688 : i32
          %mul3A_467 = arith.muli %select_n3A_465, %mul3A_466 : i32
          %add3A_468 = arith.addi %mul3A_20, %mul3A_467 : i32
          %min3A_469 = arith.constant 997376 : i32
          %min3A_470 = arith.minsi %add3A_468, %min3A_469 : i32
          %dma_start3A_471 = arith.constant 0 : i32
          %dma_start3A_472 = tpu.memref_slice %arg2[%select_n3A_449, %dma_start3A_471, %min3A_470] : memref<8x8x1000000xf32, #tpu.memory_space<hbm>> -> memref<1x8x2688xf32, #tpu.memory_space<hbm>>
          %dma_start3A_473 = arith.constant 0 : i32
          %dma_start3A_474 = tpu.memref_slice %arg2[%select_n3A_449, %dma_start3A_473, %min3A_470] : memref<8x8x1000000xf32, #tpu.memory_space<hbm>> -> memref<1x8x2688xf32, #tpu.memory_space<hbm>>
          tpu.enqueue_dma source(%dma_start3A_474 : memref<1x8x2688xf32, #tpu.memory_space<hbm>>) target(%arg9 : memref<1x8x2688xf32, #tpu.memory_space<vmem>>) target_semaphore(%arg12 : memref<!tpu.dma_semaphore, #tpu.memory_space<semaphore_mem>>)
        } else {
        }
        %mul3A_309 = arith.constant 2 : i32
        %mul3A_310 = arith.muli %mul3A_309, %scan3A_143 : i32
        %add3A_311 = arith.constant 1 : i32
        %add3A_312 = arith.addi %mul3A_310, %add3A_311 : i32
        %jit3A_313 = arith.constant 12 : i32
        %div3A_314 = arith.divsi %add3A_312, %jit3A_313 : i32
        %sign3A_315 = arith.constant 0 : i32
        %sign3A_316 = arith.cmpi sgt, %add3A_312, %sign3A_315 : i32
        %sign3A_317 = arith.extui %sign3A_316 : i1 to i32
        %sign3A_318 = arith.constant 0 : i32
        %sign3A_319 = arith.cmpi slt, %add3A_312, %sign3A_318 : i32
        %sign3A_320 = arith.extui %sign3A_319 : i1 to i32
        %sign3A_321 = arith.subi %sign3A_317, %sign3A_320 : i32
        %sign3A_322 = arith.constant 0 : i32
        %sign3A_323 = arith.cmpi sgt, %jit3A_313, %sign3A_322 : i32
        %sign3A_324 = arith.extui %sign3A_323 : i1 to i32
        %sign3A_325 = arith.constant 0 : i32
        %sign3A_326 = arith.cmpi slt, %jit3A_313, %sign3A_325 : i32
        %sign3A_327 = arith.extui %sign3A_326 : i1 to i32
        %sign3A_328 = arith.subi %sign3A_324, %sign3A_327 : i32
        %ne3A_329 = arith.cmpi ne, %sign3A_321, %sign3A_328 : i32
        %rem3A_330 = arith.remsi %add3A_312, %jit3A_313 : i32
        %ne3A_331 = arith.constant 0 : i32
        %ne3A_332 = arith.cmpi ne, %rem3A_330, %ne3A_331 : i32
        %and3A_333 = arith.andi %ne3A_329, %ne3A_332 : i1
        %sub3A_334 = arith.constant 1 : i32
        %sub3A_335 = arith.subi %div3A_314, %sub3A_334 : i32
        %select_n3A_336 = arith.select %and3A_333, %sub3A_335, %div3A_314 : i32
        %jit3A_337 = arith.constant 12 : i32
        %eq3A_338 = arith.constant 0 : i32
        %eq3A_339 = arith.cmpi eq, %jit3A_337, %eq3A_338 : i32
        %jit3A_340 = arith.constant 1 : i32
        %select_n3A_341 = arith.select %eq3A_339, %jit3A_340, %jit3A_337 : i32
        %rem3A_342 = arith.remsi %add3A_312, %select_n3A_341 : i32
        %ne3A_343 = arith.constant 0 : i32
        %ne3A_344 = arith.cmpi ne, %rem3A_342, %ne3A_343 : i32
        %lt3A_345 = arith.constant 0 : i32
        %lt3A_346 = arith.cmpi slt, %rem3A_342, %lt3A_345 : i32
        %lt3A_347 = arith.constant 0 : i32
        %lt3A_348 = arith.cmpi slt, %select_n3A_341, %lt3A_347 : i32
        %ne3A_349 = arith.xori %lt3A_346, %lt3A_348 : i1
        %and3A_350 = arith.andi %ne3A_349, %ne3A_344 : i1
        %add3A_351 = arith.addi %rem3A_342, %select_n3A_341 : i32
        %select_n3A_352 = arith.select %and3A_350, %add3A_351, %rem3A_342 : i32
        %mul3A_353 = arith.constant 2688 : i32
        %mul3A_354 = arith.muli %select_n3A_352, %mul3A_353 : i32
        %add3A_355 = arith.addi %mul3A_20, %mul3A_354 : i32
        %min3A_356 = arith.constant 997376 : i32
        %min3A_357 = arith.minsi %add3A_355, %min3A_356 : i32
        %dma_wait3A_358 = arith.constant 0 : i32
        %dma_wait3A_359 = tpu.memref_slice %arg2[%select_n3A_336, %dma_wait3A_358, %min3A_357] : memref<8x8x1000000xf32, #tpu.memory_space<hbm>> -> memref<1x8x2688xf32, #tpu.memory_space<hbm>>
        %dma_wait3A_360 = arith.constant 0 : i32
        %dma_wait3A_361 = tpu.memref_slice %arg2[%select_n3A_336, %dma_wait3A_360, %min3A_357] : memref<8x8x1000000xf32, #tpu.memory_space<hbm>> -> memref<1x8x2688xf32, #tpu.memory_space<hbm>>
        tpu.wait_dma2 semaphore(%arg13 : memref<!tpu.dma_semaphore, #tpu.memory_space<semaphore_mem>>) src(%dma_wait3A_361 : memref<1x8x2688xf32, #tpu.memory_space<hbm>>) dst(%arg10 : memref<1x8x2688xf32, #tpu.memory_space<vmem>>)
        %mul3A_362 = arith.constant 2 : i32
        %mul3A_363 = arith.muli %mul3A_362, %scan3A_143 : i32
        %add3A_364 = arith.constant 1 : i32
        %add3A_365 = arith.addi %mul3A_363, %add3A_364 : i32
        %jit3A_366 = arith.constant 12 : i32
        %div3A_367 = arith.divsi %add3A_365, %jit3A_366 : i32
        %sign3A_368 = arith.constant 0 : i32
        %sign3A_369 = arith.cmpi sgt, %add3A_365, %sign3A_368 : i32
        %sign3A_370 = arith.extui %sign3A_369 : i1 to i32
        %sign3A_371 = arith.constant 0 : i32
        %sign3A_372 = arith.cmpi slt, %add3A_365, %sign3A_371 : i32
        %sign3A_373 = arith.extui %sign3A_372 : i1 to i32
        %sign3A_374 = arith.subi %sign3A_370, %sign3A_373 : i32
        %sign3A_375 = arith.constant 0 : i32
        %sign3A_376 = arith.cmpi sgt, %jit3A_366, %sign3A_375 : i32
        %sign3A_377 = arith.extui %sign3A_376 : i1 to i32
        %sign3A_378 = arith.constant 0 : i32
        %sign3A_379 = arith.cmpi slt, %jit3A_366, %sign3A_378 : i32
        %sign3A_380 = arith.extui %sign3A_379 : i1 to i32
        %sign3A_381 = arith.subi %sign3A_377, %sign3A_380 : i32
        %ne3A_382 = arith.cmpi ne, %sign3A_374, %sign3A_381 : i32
        %rem3A_383 = arith.remsi %add3A_365, %jit3A_366 : i32
        %ne3A_384 = arith.constant 0 : i32
        %ne3A_385 = arith.cmpi ne, %rem3A_383, %ne3A_384 : i32
        %and3A_386 = arith.andi %ne3A_382, %ne3A_385 : i1
        %sub3A_387 = arith.constant 1 : i32
        %sub3A_388 = arith.subi %div3A_367, %sub3A_387 : i32
        %select_n3A_389 = arith.select %and3A_386, %sub3A_388, %div3A_367 : i32
        %jit3A_390 = arith.constant 12 : i32
        %eq3A_391 = arith.constant 0 : i32
        %eq3A_392 = arith.cmpi eq, %jit3A_390, %eq3A_391 : i32
        %jit3A_393 = arith.constant 1 : i32
        %select_n3A_394 = arith.select %eq3A_392, %jit3A_393, %jit3A_390 : i32
        %rem3A_395 = arith.remsi %add3A_365, %select_n3A_394 : i32
        %ne3A_396 = arith.constant 0 : i32
        %ne3A_397 = arith.cmpi ne, %rem3A_395, %ne3A_396 : i32
        %lt3A_398 = arith.constant 0 : i32
        %lt3A_399 = arith.cmpi slt, %rem3A_395, %lt3A_398 : i32
        %lt3A_400 = arith.constant 0 : i32
        %lt3A_401 = arith.cmpi slt, %select_n3A_394, %lt3A_400 : i32
        %ne3A_402 = arith.xori %lt3A_399, %lt3A_401 : i1
        %and3A_403 = arith.andi %ne3A_402, %ne3A_397 : i1
        %add3A_404 = arith.addi %rem3A_395, %select_n3A_394 : i32
        %select_n3A_405 = arith.select %and3A_403, %add3A_404, %rem3A_395 : i32
        %mul3A_406 = arith.constant 2688 : i32
        %mul3A_407 = arith.muli %select_n3A_405, %mul3A_406 : i32
        %add3A_408 = arith.addi %mul3A_20, %mul3A_407 : i32
        %min3A_409 = arith.constant 997376 : i32
        %min3A_410 = arith.minsi %add3A_408, %min3A_409 : i32
        %sub3A_411 = arith.subi %min3A_410, %mul3A_20 : i32
        %mul3A_412 = arith.constant 8 : i32
        %mul3A_413 = arith.muli %select_n3A_389, %mul3A_412 : i32
        %scan3A_414 = arith.constant 0 : i32
        %scan3A_415 = arith.constant 0 : i32
        %scan3A_416 = arith.constant 24 : i32
        %scan3A_417 = arith.addi %scan3A_415, %scan3A_416 : i32
        %scan3A_418 = arith.constant 1 : i32
        %scan3A_419 = scf.for %scan3A_422 = %scan3A_415 to %scan3A_417 step %scan3A_418 iter_args(%scan3A_423 = %scan3A_414) -> (i32)  : i32 {
          %mul3A_424 = arith.constant 16 : i32
          %mul3A_425 = arith.muli %scan3A_422, %mul3A_424 : i32
          %add3A_426 = arith.addi %mul3A_124, %mul3A_425 : i32
          %add3A_427 = vector.broadcast %add3A_426 : i32 to vector<16xi32>
          %add3A_428 = arith.addi %add3A_427, %iota3A : vector<16xi32>
          %gather3A = tpu.vector_load_idx %arg7[%add3A_428] : memref<8448xi32, #tpu.memory_space<vmem>>[vector<16xi32>], vector<16xi32>,
          %sub3A_429 = vector.broadcast %sub3A_411 : i32 to vector<16xi32>
          %sub3A_430 = arith.subi %gather3A, %sub3A_429 : vector<16xi32>
          %ge3A = arith.constant 0 : i32
          %ge3A_431 = vector.broadcast %ge3A : i32 to vector<16xi32>
          %ge3A_432 = arith.cmpi sge, %gather3A, %ge3A_431 : vector<16xi32>
          %ge3A_433 = arith.constant 0 : i32
          %ge3A_434 = vector.broadcast %ge3A_433 : i32 to vector<16xi32>
          %ge3A_435 = arith.cmpi sge, %sub3A_430, %ge3A_434 : vector<16xi32>
          %and3A_436 = arith.andi %ge3A_432, %ge3A_435 : vector<16xi1>
          %lt3A_437 = arith.constant 2688 : i32
          %lt3A_438 = vector.broadcast %lt3A_437 : i32 to vector<16xi32>
          %lt3A_439 = arith.cmpi slt, %sub3A_430, %lt3A_438 : vector<16xi32>
          %and3A_440 = arith.andi %and3A_436, %lt3A_439 : vector<16xi1>
          %jit3A_441 = arith.constant 0 : i32
          %jit3A_442 = arith.constant 2687 : i32
          %max3A_443 = vector.broadcast %jit3A_441 : i32 to vector<16xi32>
          %max3A_444 = arith.maxsi %max3A_443, %sub3A_430 : vector<16xi32>
          %min3A_445 = vector.broadcast %jit3A_442 : i32 to vector<16xi32>
          %min3A_446 = arith.minsi %min3A_445, %max3A_444 : vector<16xi32>
          %mul3A_447 = arith.constant 16 : i32
          %mul3A_448 = arith.muli %scan3A_422, %mul3A_447 : i32
          %add3A_449 = vector.broadcast %mul3A_448 : i32 to vector<16xi32>
          %add3A_450 = arith.addi %add3A_449, %iota3A : vector<16xi32>
          %broadcast_in_dim3A_451 = arith.constant 0 : i32
          %broadcast_in_dim3A_452 = vector.broadcast %broadcast_in_dim3A_451 : i32 to vector<16xi32>
          %gather3A_453 = tpu.vector_load_idx %arg10[%broadcast_in_dim3A_109, %broadcast_in_dim3A_452, %min3A_446] masked %and3A_440 : memref<1x8x2688xf32, #tpu.memory_space<vmem>>[vector<16xi32>, vector<16xi32>, vector<16xi32>], vector<16xf32>, vector<16xi1>
          %add3A_454 = arith.constant 0 : i32
          %add3A_455 = arith.addi %mul3A_413, %add3A_454 : i32
          %broadcast_in_dim3A_456 = vector.broadcast %add3A_455 : i32 to vector<16xi32>
          tpu.vector_store_idx %arg11[%add3A_450, %broadcast_in_dim3A_456], %gather3A_453 masked %and3A_440 : memref<384x128xf32, #tpu.memory_space<vmem>>[vector<16xi32>, vector<16xi32>], vector<16xf32>, vector<16xi1>
          %broadcast_in_dim3A_457 = arith.constant 1 : i32
          %broadcast_in_dim3A_458 = vector.broadcast %broadcast_in_dim3A_457 : i32 to vector<16xi32>
          %gather3A_459 = tpu.vector_load_idx %arg10[%broadcast_in_dim3A_109, %broadcast_in_dim3A_458, %min3A_446] masked %and3A_440 : memref<1x8x2688xf32, #tpu.memory_space<vmem>>[vector<16xi32>, vector<16xi32>, vector<16xi32>], vector<16xf32>, vector<16xi1>
          %add3A_460 = arith.constant 1 : i32
          %add3A_461 = arith.addi %mul3A_413, %add3A_460 : i32
          %broadcast_in_dim3A_462 = vector.broadcast %add3A_461 : i32 to vector<16xi32>
          tpu.vector_store_idx %arg11[%add3A_450, %broadcast_in_dim3A_462], %gather3A_459 masked %and3A_440 : memref<384x128xf32, #tpu.memory_space<vmem>>[vector<16xi32>, vector<16xi32>], vector<16xf32>, vector<16xi1>
          %broadcast_in_dim3A_463 = arith.constant 2 : i32
          %broadcast_in_dim3A_464 = vector.broadcast %broadcast_in_dim3A_463 : i32 to vector<16xi32>
          %gather3A_465 = tpu.vector_load_idx %arg10[%broadcast_in_dim3A_109, %broadcast_in_dim3A_464, %min3A_446] masked %and3A_440 : memref<1x8x2688xf32, #tpu.memory_space<vmem>>[vector<16xi32>, vector<16xi32>, vector<16xi32>], vector<16xf32>, vector<16xi1>
          %add3A_466 = arith.constant 2 : i32
          %add3A_467 = arith.addi %mul3A_413, %add3A_466 : i32
          %broadcast_in_dim3A_468 = vector.broadcast %add3A_467 : i32 to vector<16xi32>
          tpu.vector_store_idx %arg11[%add3A_450, %broadcast_in_dim3A_468], %gather3A_465 masked %and3A_440 : memref<384x128xf32, #tpu.memory_space<vmem>>[vector<16xi32>, vector<16xi32>], vector<16xf32>, vector<16xi1>
          %broadcast_in_dim3A_469 = arith.constant 3 : i32
          %broadcast_in_dim3A_470 = vector.broadcast %broadcast_in_dim3A_469 : i32 to vector<16xi32>
          %gather3A_471 = tpu.vector_load_idx %arg10[%broadcast_in_dim3A_109, %broadcast_in_dim3A_470, %min3A_446] masked %and3A_440 : memref<1x8x2688xf32, #tpu.memory_space<vmem>>[vector<16xi32>, vector<16xi32>, vector<16xi32>], vector<16xf32>, vector<16xi1>
          %add3A_472 = arith.constant 3 : i32
          %add3A_473 = arith.addi %mul3A_413, %add3A_472 : i32
          %broadcast_in_dim3A_474 = vector.broadcast %add3A_473 : i32 to vector<16xi32>
          tpu.vector_store_idx %arg11[%add3A_450, %broadcast_in_dim3A_474], %gather3A_471 masked %and3A_440 : memref<384x128xf32, #tpu.memory_space<vmem>>[vector<16xi32>, vector<16xi32>], vector<16xf32>, vector<16xi1>
          %broadcast_in_dim3A_475 = arith.constant 4 : i32
          %broadcast_in_dim3A_476 = vector.broadcast %broadcast_in_dim3A_475 : i32 to vector<16xi32>
          %gather3A_477 = tpu.vector_load_idx %arg10[%broadcast_in_dim3A_109, %broadcast_in_dim3A_476, %min3A_446] masked %and3A_440 : memref<1x8x2688xf32, #tpu.memory_space<vmem>>[vector<16xi32>, vector<16xi32>, vector<16xi32>], vector<16xf32>, vector<16xi1>
          %add3A_478 = arith.constant 4 : i32
          %add3A_479 = arith.addi %mul3A_413, %add3A_478 : i32
          %broadcast_in_dim3A_480 = vector.broadcast %add3A_479 : i32 to vector<16xi32>
          tpu.vector_store_idx %arg11[%add3A_450, %broadcast_in_dim3A_480], %gather3A_477 masked %and3A_440 : memref<384x128xf32, #tpu.memory_space<vmem>>[vector<16xi32>, vector<16xi32>], vector<16xf32>, vector<16xi1>
          %broadcast_in_dim3A_481 = arith.constant 5 : i32
          %broadcast_in_dim3A_482 = vector.broadcast %broadcast_in_dim3A_481 : i32 to vector<16xi32>
          %gather3A_483 = tpu.vector_load_idx %arg10[%broadcast_in_dim3A_109, %broadcast_in_dim3A_482, %min3A_446] masked %and3A_440 : memref<1x8x2688xf32, #tpu.memory_space<vmem>>[vector<16xi32>, vector<16xi32>, vector<16xi32>], vector<16xf32>, vector<16xi1>
          %add3A_484 = arith.constant 5 : i32
          %add3A_485 = arith.addi %mul3A_413, %add3A_484 : i32
          %broadcast_in_dim3A_486 = vector.broadcast %add3A_485 : i32 to vector<16xi32>
          tpu.vector_store_idx %arg11[%add3A_450, %broadcast_in_dim3A_486], %gather3A_483 masked %and3A_440 : memref<384x128xf32, #tpu.memory_space<vmem>>[vector<16xi32>, vector<16xi32>], vector<16xf32>, vector<16xi1>
          %broadcast_in_dim3A_487 = arith.constant 6 : i32
          %broadcast_in_dim3A_488 = vector.broadcast %broadcast_in_dim3A_487 : i32 to vector<16xi32>
          %gather3A_489 = tpu.vector_load_idx %arg10[%broadcast_in_dim3A_109, %broadcast_in_dim3A_488, %min3A_446] masked %and3A_440 : memref<1x8x2688xf32, #tpu.memory_space<vmem>>[vector<16xi32>, vector<16xi32>, vector<16xi32>], vector<16xf32>, vector<16xi1>
          %add3A_490 = arith.constant 6 : i32
          %add3A_491 = arith.addi %mul3A_413, %add3A_490 : i32
          %broadcast_in_dim3A_492 = vector.broadcast %add3A_491 : i32 to vector<16xi32>
          tpu.vector_store_idx %arg11[%add3A_450, %broadcast_in_dim3A_492], %gather3A_489 masked %and3A_440 : memref<384x128xf32, #tpu.memory_space<vmem>>[vector<16xi32>, vector<16xi32>], vector<16xf32>, vector<16xi1>
          %broadcast_in_dim3A_493 = arith.constant 7 : i32
          %broadcast_in_dim3A_494 = vector.broadcast %broadcast_in_dim3A_493 : i32 to vector<16xi32>
          %gather3A_495 = tpu.vector_load_idx %arg10[%broadcast_in_dim3A_109, %broadcast_in_dim3A_494, %min3A_446] masked %and3A_440 : memref<1x8x2688xf32, #tpu.memory_space<vmem>>[vector<16xi32>, vector<16xi32>, vector<16xi32>], vector<16xf32>, vector<16xi1>
          %add3A_496 = arith.constant 7 : i32
          %add3A_497 = arith.addi %mul3A_413, %add3A_496 : i32
          %broadcast_in_dim3A_498 = vector.broadcast %add3A_497 : i32 to vector<16xi32>
          tpu.vector_store_idx %arg11[%add3A_450, %broadcast_in_dim3A_498], %gather3A_495 masked %and3A_440 : memref<384x128xf32, #tpu.memory_space<vmem>>[vector<16xi32>, vector<16xi32>], vector<16xf32>, vector<16xi1>
          %scan3A_499 = arith.constant 0 : i32
          scf.yield %scan3A_499 : i32
        }
        %scan3A_420 = arith.constant 24 : i32
        %scan3A_421 = arith.constant 0 : i32
        scf.yield %scan3A_421 : i32
      }
      %scan3A_133 = arith.constant 48 : i32
      %dma_start3A_134 = tpu.memref_slice %arg8[%mul3A_124] : memref<8448xi32, #tpu.memory_space<vmem>> -> memref<384xi32, #tpu.memory_space<vmem>>
      %dma_start3A_135 = arith.constant 0 : i32
      %dma_start3A_136 = arith.constant 0 : i32
      %dma_start3A_137 = tpu.memref_slice %arg5[%dma_start3A_135, %dma_start3A_136] : memref<8192x128xf32, #tpu.memory_space<hbm>> -> memref<8192x128xf32, #tpu.memory_space<hbm>>
      %dma_start3A_138 = arith.constant -1 : i32
      tpu.enqueue_indirect_dma source(%arg11 : memref<384x128xf32, #tpu.memory_space<vmem>>) target(%dma_start3A_137 : memref<8192x128xf32, #tpu.memory_space<hbm>>) offsets(%dma_start3A_134 : memref<384xi32, #tpu.memory_space<vmem>>) offset_filter(%dma_start3A_138) semaphore(%arg14 : memref<!tpu.dma_semaphore, #tpu.memory_space<semaphore_mem>>)
      %dma_wait3A = tpu.memref_slice %arg8[%mul3A_124] : memref<8448xi32, #tpu.memory_space<vmem>> -> memref<384xi32, #tpu.memory_space<vmem>>
      %dma_wait3A_139 = arith.constant 0 : i32
      %dma_wait3A_140 = arith.constant 0 : i32
      %dma_wait3A_141 = tpu.memref_slice %arg5[%dma_wait3A_139, %dma_wait3A_140] : memref<8192x128xf32, #tpu.memory_space<hbm>> -> memref<8192x128xf32, #tpu.memory_space<hbm>>
      tpu.wait_indirect_dma semaphore(%arg14 : memref<!tpu.dma_semaphore, #tpu.memory_space<semaphore_mem>>) src(%arg11 : memref<384x128xf32, #tpu.memory_space<vmem>>) dst(%dma_wait3A_141 : memref<8192x128xf32, #tpu.memory_space<hbm>>)
      %while3A_142 = arith.constant 0 : i32
      scf.yield %while3A_142 : i32
    }
    return
  }
}

module attributes {stable_mosaic.version = 14 : i64} {
  func.func @_proj_body(%arg0: i32, %arg1: memref<2048x128xf32, #tpu.memory_space<vmem>>, %arg2: memref<1024x128xf32, #tpu.memory_space<vmem>>, %arg3: memref<512x4x1024xf32, #tpu.memory_space<vmem>>) attributes {dimension_semantics = [#tpu.dimension_semantics<arbitrary>], iteration_bounds = array<i64: 4>, scalar_prefetch = 0 : i64, scratch_operands = 0 : i64, tpu.core_type = #tpu.core_type<tc>, window_params = [{transform_indices = @transform_0, window_bounds = array<i64: 2048, 128>}, {pipeline_mode = #tpu.pipeline_mode<synchronous>, transform_indices = @transform_1, window_bounds = array<i64: 1024, 128>}, {transform_indices = @transform_2, window_bounds = array<i64: 512, 4, 1024>}]} {
    %get3A = arith.constant 0 : index
    %get3A_0 = arith.constant 0 : index
    %get3A_1 = vector.load %arg1[%get3A, %get3A_0] : memref<2048x128xf32, #tpu.memory_space<vmem>>, vector<2048x128xf32>
    %convert_element_type3A = arith.truncf %get3A_1 : vector<2048x128xf32> to vector<2048x128xbf16>
    %get3A_2 = arith.constant 0 : index
    %get3A_3 = arith.constant 0 : index
    %get3A_4 = vector.load %arg2[%get3A_2, %get3A_3] : memref<1024x128xf32, #tpu.memory_space<vmem>>, vector<1024x128xf32>
    %convert_element_type3A_5 = arith.truncf %get3A_4 : vector<1024x128xf32> to vector<1024x128xbf16>
    %dot_general3A = arith.constant dense<0.000000e+00> : vector<2048x1024xf32>
    %dot_general3A_6 = tpu.matmul %convert_element_type3A, %convert_element_type3A_5, %dot_general3A {dimension_numbers = #tpu.dot_dimension_numbers<[1], [1], [0], [0], [0, 0, 1, 0], [], []>, transpose_lhs_hint = false} : vector<2048x128xbf16>, vector<1024x128xbf16>, vector<2048x1024xf32> -> vector<2048x1024xf32>
    %reshape3A = vector.shape_cast %dot_general3A_6 : vector<2048x1024xf32> to vector<512x4x1024xf32>
    %swap3A = arith.constant 0 : index
    %swap3A_7 = arith.constant 0 : index
    %swap3A_8 = arith.constant 0 : index
    %swap3A_9 = vector.load %arg3[%swap3A, %swap3A_7, %swap3A_8] : memref<512x4x1024xf32, #tpu.memory_space<vmem>>, vector<512x4x1024xf32>
    tpu.vector_store %arg3[%swap3A, %swap3A_7, %swap3A_8], %reshape3A {strides = array<i32>} : memref<512x4x1024xf32, #tpu.memory_space<vmem>>, vector<512x4x1024xf32>,
    return
  }
  func.func @transform_0(%arg0: i32) -> (i32, i32) {
    %c0_i32 = arith.constant 0 : i32
    %c0_i32_0 = arith.constant 0 : i32
    return %arg0, %c0_i32 : i32, i32
  }
  func.func @transform_1(%arg0: i32) -> (i32, i32) {
    %c0_i32 = arith.constant 0 : i32
    %c0_i32_0 = arith.constant 0 : i32
    %c0_i32_1 = arith.constant 0 : i32
    return %c0_i32, %c0_i32_0 : i32, i32
  }
  func.func @transform_2(%arg0: i32) -> (i32, i32, i32) {
    %c0_i32 = arith.constant 0 : i32
    %c0_i32_0 = arith.constant 0 : i32
    %c0_i32_1 = arith.constant 0 : i32
    return %arg0, %c0_i32, %c0_i32_0 : i32, i32, i32
  }
}

</mosaic_0001>

<sc_bundles>
// kernel: kernel.4.cloned.1.call-start
scs
__scs_entry_jumppad:
0x0: {  	(pc) =	sbr.rel $0x88, $3  }
0x1: {  	(tag) =	ssettag $0x0;
	lr =	simm.s32 $0x1  }
0x2: {  	[smem:$0x3F9E] =	sst lr;
	_ =	strace $0xD0000000  }
0x3: {  	_ = 	snop  }
0x4: {  	_ = 	snop  }
0x5: {  	_ = 	snop  }
0x6: {  	_ = 	snop  }
0x7: {  	_ = 	snop  }
__scs_overlays_trampoline_lowered:
0x8: {  	[smem:$0x3FAD] =	sst s0  }
0x9: {  	[smem:$0x3FAE] =	sst s1  }
0xa: {  	[smem:$0x3FAF] =	sst s2  }
0xb: {  	[smem:$0x3FB0] =	sst s3  }
0xc: {  	[smem:$0x3FB1] =	sst s4  }
0xd: {  	[smem:$0x3FB2] =	sst s5  }
0xe: {  	[smem:$0x3FB3] =	sst s6  }
0xf: {  	[smem:$0x3FB4] =	sst s7  }
0x10: {  	[smem:$0x3FB5] =	sst s8  }
0x11: {  	[smem:$0x3FB6] =	sst s9;
	s0 =	simm.s32 @!p0 $0x0  }
0x12: {  	s1 =	sld [smem:$0x3F9C];
	s0 =	simm.s32 @p0 $0x1  }
0x13: {  	[smem:$0x3FB7] =	sst s0;
	s0 =	simm.s32 @!p1 $0x0  }
0x14: {  	s2 =	sld [smem:$0x3F9B];
	s0 =	simm.s32 @p1 $0x1  }
0x15: {  	[smem:$0x3FB8] =	sst s0;
	s0 =	simm.s32 @!p2 $0x0  }
0x16: {  	s3 =	sld [smem:$0x3FDB];
	s0 =	simm.s32 @p2 $0x1  }
0x17: {  	s4 =	simm.s32 $0x1BF5;
	[smem:$0x3FBA] =	sst s0  }
0x18: {  	s0 =	sld [smem:$0x3F9D];
	_ =	swait.ge [sflag:s4], $0x0  }
0x19: {  	s7 =	sld [smem:$0x3F9E]  }
0x1a: {  	s8 =	sadd.s32 $0xFFFFE003, lr  }
0x1b: {  	s9 =	sadd.s32 $0xFFFFFEF7, lr;
	s5 =	simm.s32 $0xFFFFFFFF;
	p2 =	slt.u32 s8, $0xFFFFF086  }
0x1c: {  	p1 =	slt.u32 s9, $0xF7A;
	s5 =	simm.s32 @!p2 $0x0  }
0x1d: {  	s5 =	simm.s32 @p1 $0x1;
	p0 =	seq.s32 s7, s2  }
0x1e: {  	s7 =	smul.u32 @!p0 $0xF7A, s2;
	p2 =	seq.s32 @!p0 s5, $0x0  }
0x1f: {  	s9 =	smul.u32 $0xF7A, s1;
	s8 =	simm.s32 @!p0 $0x1BF5;
	p2 =	por !p2, p0  }
0x20: {  	[sflag:s8] =	ssyncset.s32 @!p0 $0xFFFFF086;
	s6 =	sadd.s32 @!p0 s3, s7;
	s7 =	simm.s32 @!p0 $0x108  }
0x21: {  	s3 =	sadd.s32 s3, s9;
	s6 =	sadd.s32 @!p0 $0x88, s6;
	s7 =	simm.s32 @p2 $0x1082  }
0x22: {  	[simem:s7], [sflag:s8] =	dma.local @!p0 [hbm:s6], $0xF7A  }
0x23: {  	s9 =	sor.u32 $0xD0000000, s2;
	s6 =	simm.s32 $0x108;
	_ =	swait.ge @!p0 [sflag:s8], $0x0  }
0x24: {  	s3 =	sadd.s32 $0x88, s3;
	s6 =	simm.s32 @!p1 $0x1082;
	[sflag:s4] =	ssyncset.s32 $0xFFFFF086  }
0x25: {  	[simem:s6], [sflag:s4] =	dma.local [hbm:s3], $0xF7A  }
0x26: {  	[smem:$0x3F9E] =	sst s1;
	(tag) =	ssettag s2;
	_ =	strace s9  }
0x27: {  	s1 =	sld [smem:$0x3FAE]  }
0x28: {  	s2 =	sld [smem:$0x3FAF]  }
0x29: {  	s4 =	sld [smem:$0x3FB1]  }
0x2a: {  	p0 =	seq.s32 s5, $0x0;
	s5 =	sld [smem:$0x3FB2]  }
0x2b: {  	s6 =	sld [smem:$0x3FB3]  }
0x2c: {  	s7 =	sld [smem:$0x3FB4]  }
0x2d: {  	s3 =	simm.s32 $0x108;
	s8 =	sld [smem:$0x3FB5]  }
0x2e: {  	s3 =	simm.s32 @!p0 $0x1082;
	s9 =	sld [smem:$0x3FB6]  }
0x2f: {  	lr =	sadd.s32 s0, s3;
	s0 =	sld [smem:$0x3FAD]  }
0x30: {  	s3 =	sld [smem:$0x3FB0]  }
0x31: {  	[smem:$0x3FB9] =	sst s10  }
0x32: {  	s10 =	sld [smem:$0x3FB7];
	_ =	sdelay $0x3  }
0x33: {  	p0 =	seq.s32 s10, $0x1;
	s10 =	sld [smem:$0x3FB9];
	_ =	sdelay $0x3  }
0x34: {  	[smem:$0x3FB9] =	sst s10  }
0x35: {  	s10 =	sld [smem:$0x3FB8];
	_ =	sdelay $0x3  }
0x36: {  	p1 =	seq.s32 s10, $0x1;
	s10 =	sld [smem:$0x3FB9];
	_ =	sdelay $0x3  }
0x37: {  	[smem:$0x3FB9] =	sst s10  }
0x38: {  	s10 =	sld [smem:$0x3FBA]  }
0x39: {  	_ = 	snop;
	(pc) =	sbr.ind lr, $3  }
0x3a: {  	_ = 	snop  }
0x3b: {  	_ = 	snop  }
0x3c: {  	p2 =	seq.s32 s10, $0x1;
	s10 =	sld [smem:$0x3FB9]  }
0x3d: {  	_ =	shalt  }
0x3e: {  	_ =	shalt  }
0x3f: {  	_ =	shalt  }
0x40: {  	_ =	shalt  }
0x41: {  	_ =	shalt  }
0x42: {  	_ =	shalt  }
0x43: {  	_ =	shalt  }
0x44: {  	_ =	shalt  }
0x45: {  	_ =	shalt  }
0x46: {  	_ =	shalt  }
0x47: {  	_ =	shalt  }
0x48: {  	_ =	shalt  }
0x49: {  	_ =	shalt  }
0x4a: {  	_ =	shalt  }
0x4b: {  	_ =	shalt  }
0x4c: {  	_ =	shalt  }
0x4d: {  	_ =	shalt  }
0x4e: {  	_ =	shalt  }
0x4f: {  	_ =	shalt  }
0x50: {  	_ =	shalt  }
0x51: {  	_ =	shalt  }
0x52: {  	_ =	shalt  }
0x53: {  	_ =	shalt  }
0x54: {  	_ =	shalt  }
0x55: {  	_ =	shalt  }
0x56: {  	_ =	shalt  }
0x57: {  	_ =	shalt  }
0x58: {  	_ =	shalt  }
0x59: {  	_ =	shalt  }
0x5a: {  	_ =	shalt  }
0x5b: {  	_ =	shalt  }
0x5c: {  	_ =	shalt  }
0x5d: {  	_ =	shalt  }
0x5e: {  	_ =	shalt  }
0x5f: {  	_ =	shalt  }
0x60: {  	_ =	shalt  }
0x61: {  	_ =	shalt  }
0x62: {  	_ =	shalt  }
0x63: {  	_ =	shalt  }
0x64: {  	_ =	shalt  }
0x65: {  	_ =	shalt  }
0x66: {  	_ =	shalt  }
0x67: {  	_ =	shalt  }
0x68: {  	_ =	shalt  }
0x69: {  	_ =	shalt  }
0x6a: {  	_ =	shalt  }
0x6b: {  	_ =	shalt  }
0x6c: {  	_ =	shalt  }
0x6d: {  	_ =	shalt  }
0x6e: {  	_ =	shalt  }
0x6f: {  	_ =	shalt  }
0x70: {  	_ =	shalt  }
0x71: {  	_ =	shalt  }
0x72: {  	_ =	shalt  }
0x73: {  	_ =	shalt  }
0x74: {  	_ =	shalt  }
0x75: {  	_ =	shalt  }
0x76: {  	_ =	shalt  }
0x77: {  	_ =	shalt  }
0x78: {  	_ =	shalt  }
0x79: {  	_ =	shalt  }
0x7a: {  	_ =	shalt  }
0x7b: {  	_ =	shalt  }
0x7c: {  	_ =	shalt  }
0x7d: {  	_ =	shalt  }
0x7e: {  	_ =	shalt  }
0x7f: {  	_ =	shalt  }
0x80: {  	_ =	shalt  }
0x81: {  	_ =	shalt  }
0x82: {  	_ =	shalt  }
0x83: {  	_ =	shalt  }
0x84: {  	_ =	shalt  }
0x85: {  	_ =	shalt  }
0x86: {  	_ =	shalt  }
0x87: {  	_ =	shalt  }
.Lfunc_end0:
.L_simem_size_0:
called_computation_lowered:
.L_overlay_start_0:
0x88: {  	s2 =	sld [smem:$0x3FD9]  }
0x89: {  	s3 =	sld [smem:$0x3FFE];
	_ =	sdelay $0x1  }
0x8a: {  	s1 =	srdreg.scid  }
0x8b: {  	s0 =	sand.u32 $0x1, s1  }
0x8c: {  	s17 =	sshll.u32 s0, $0xA;
	s2 =	sadd.s32 s3, s2  }
0x8d: {  	s2 =	sadd.s32 s2, s17  }
0x8e: {  	[smem:$0x3FC5] =	sst s2  }
0x8f: {  	_ = 	snop  }
0x90: {  	s2 =	sld [smem:$0x3FC8]  }
0x91: {  	s18 =	sld [smem:$0x3FD0];
	(tm) =	ssettm $0x1  }
0x92: {  	s4 =	sld [smem:$0x3FFB];
	_ =	sdelay $0x3  }
0x93: {  	_ =	strace s4  }
0x94: {  	s4 =	sld [smem:$0x3FFC];
	_ =	sdelay $0x3  }
0x95: {  	_ =	strace s4  }
0x96: {  	s4 =	sld [smem:$0x3FFD];
	_ =	sdelay $0x3  }
0x97: {  	_ =	strace s4  }
0x98: {  	_ =	strace $0x8FFFFFFF  }
0x99: {  	s19 =	sld [smem:$0x3FDB];
	_ =	sdelay $0x1  }
0x9a: {  	s5 =	simm.s32 $_scs_section_size  }
0x9b: {  	s6 =	simm.s32 $_size__tile_overlayer_lowered;
	s7 =	simm.s32 $_tile_overlayer_lowered  }
0x9c: {  	s22 =	simm.s32 $0x1BFF;
	s21 =	sshll.u32 s7, $0x1;
	s4 =	sadd.s32 s5, s19  }
0x9d: {  	s8 =	simm.s32 $0x0;
	s20 =	sshll.u32 s6, $0x1;
	s6 =	sadd.s32 s21, s4  }
0x9e: {  	[timem:s8], [sflag:s22] =	dma.local [hbm:s6], s20  }
0x9f: {  	_ =	swait.ge [sflag:s22], s20  }
0xa0: {  	s5 =	ssub.s32 $0x0, s20;
	[sflag:s22] =	ssyncset.done $0x0  }
0xa1: {  	[sflag:s22] =	ssyncadd.s32 s5;
	_ =	sdelay $0x1  }
0xa2: {  	s23 =	simm.s32 $0x1B8B  }
0xa3: {  	_ =	swait.ge [sflag:s23], $0x1  }
0xa4: {  	[sflag:s23] =	ssyncset.done $0x0  }
0xa5: {  	s25 =	simm.s32 $0x1B8E;
	s24 =	sld [smem:$0x3FFE];
	[sflag:s23] =	ssyncadd.s32 $0xFFFFFFFF  }
0xa6: {  	s26 =	simm.s32 $execute0_lowered;
	[smem:$0x3FD2] =	sst s25  }
0xa7: {  	s6 =	sshll.u32 s26, $0x1;
	_ =	strace $0x80000046;
	[dreg:$0x1] =	wrdreg $0xFFFFFFFF  }
0xa8: {  	s28 =	simm.s32 $_size_execute0_lowered;
	s4 =	sadd.s32 s4, s6;
	[dreg:$0x0] =	wrdreg $0x0  }
0xa9: {  	s6 =	sshll.u32 s28, $0x1;
	[dreg:$0x2] =	wrdreg s4  }
0xaa: {  	[dreg:$0x3] =	wrdreg s6  }
0xab: {  	[dreg:$0x4] =	wrdreg $0xC0  }
0xac: {  	_ =	task [dreg:s8], $0x5FFFF  }
0xad: {  	[dreg:$0x1] =	wrdreg $0xFFFFFFFF  }
0xae: {  	[dreg:$0x0] =	wrdreg $0x60  }
0xaf: {  	[dreg:$0x2] =	wrdreg s2  }
0xb0: {  	[dreg:$0x3] =	wrdreg s24  }
0xb1: {  	[dreg:$0x4] =	wrdreg s18  }
0xb2: {  	[dreg:$0x5] =	wrdreg $0x9  }
0xb3: {  	_ =	task.clear_ibuf [dreg:s8], $0x6FFFF;
	_ =	strace $0x90000046  }
0xb4: {  	s29 =	simm.s32 $0x9;
	_ =	strace $0x80000048  }
0xb5: {  	_ =	swait.ge [sflag:s29], $0x1  }
0xb6: {  	[sflag:s29] =	ssyncadd.s32 $0xFFFFFFFF  }
0xb7: {  	_ =	strace $0x90000048  }
0xb8: {  	_ =	sfence  }
0xb9: {  	s30 =	sld [smem:$0x0];
	_ =	sdelay $0x2  }
0xba: {  	s31 =	sshll.u32 s1, $0xD;
	s1 =	sshrl.u32 s1, $0x2  }
0xbb: {  	s3 =	sand.u32 $0x4000, s31;
	s1 =	sadd.s32 s1, s30  }
0xbc: {  	s0 =	sor.u32 s3, s0;
	s1 =	sshll.u32 s1, $0x11  }
0xbd: {  	s0 =	sor.u32 s1, s0  }
0xbe: {  	s0 =	sadd.s32 $0x8F2B, s0  }
0xbf: {  	[sflag:s0] =	ssyncadd.remote.s32 $0x1  }
0xc0: {  	_ =	sfence.sel $0xFFFF  }
0xc1: {  	[dreg:$0x0] =	wrdreg $0xFFFFFFFF;
	(pc) =	sbr.abs _section_cstart, $3  }
0xc2: {  	[dreg:$0x1] =	wrdreg $0xFFFFFFFF  }
0xc3: {  	_ =	task.clear_ibuf [dreg:s8], $0x2FFFF;
	_ =	strace $0x9FFFFFFF  }
0xc4: {  	(tm) =	ssettm $0x7FFFFFFF  }
0xc5: {  	_ =	shalt  }
tec
execute0_lowered:
.L_overlay_start_1:
0x0: {  	(tag) =	ssettag $0x1  }
0x1: {  	s1 =	rddreg [dreg:$0x0]  }
0x2: {  	s6 =	rddreg [dreg:$0x1];
	s2 =	srdreg.scid  }
0x3: {  	s0 =	stileid.u32;
	s3 =	rddreg [dreg:$0x2]  }
0x4: {  	s4 =	simm.s32 $0x0;
	s13 =	simm.s32 $0x4100;
	s14 =	simm.s32 $0x2000  }
0x5: {  	s16 =	simm.s32 $0xB600;
	s17 =	simm.s32 $0x2;
	s18 =	simm.s32 $0x180  }
0x6: {  	s19 =	simm.s32 $0x3;
	s7 =	sand.u32 $0x1, s2;
	s5 =	sshll.u32 s0, $0x1  }
0x7: {  	s20 =	simm.s32 $0x0;
	[smem:$0x7FF] =	sst s4;
	s8 =	sor.u32 s7, s5  }
0x8: {  	_ =	strace $0x80000047;
	s10 =	ssub.s32 $0x2, s7;
	s9 =	smul.u32 $0x7A12, s8  }
0x9: {  	s5 =	sadd.s32 $0x800, s6;
	s6 =	sadd.s32 $0xC00, s6;
	s11 =	sshrl.u32 s10, $0x1  }
0xa: {  	p0 =	seq.s32 s8, $0x1F;
	s31 =	ssub.s32 s10, s11;
	s12 =	sadd.s32 $0x7A12, s9  }
0xb: {  	s10 =	simm.s32 $0x6200;
	s11 =	simm.s32 $0x10A00;
	s15 =	sand.u32 $0x1FFF80, s12  }
0xc: {  	v2 =	vlaneseq.u32;
	v3 =	vimm.s32 $0xFFFFFFFF;
	v4 =	vimm.s32 $0x0;
	s7 =	sand.u32 $0xFFF80, s9;
	s9 =	smax.u32 s31, $0x1;
	s15 =	simm.s32 @p0 $0xF4240  }
0xd: {  	v5 =	vmul.u32 $0x80, v2;
	s8 =	sadd.s32 s1, s7;
	s12 =	simm.s32 $0x4;
	v0 =	vmov s7;
	v1 =	vmov s15;
	s15 =	simm.s32 $0x1  }
.LBB2_1:
0xe: {  	[tilespmem:s10], [sflag:$0x1] =	stream.linear.gather [hbm4b:s8+s4], $0x5400, $0x38;
	[tilespmem:$0x1CA00] =	vst v63  }
0xf: {  	_ = 	snop  }
0x10: {  	[tilespmem:s11], [sflag:$0x4] =	stream.linear.gather [hbm4b:s6+s4], $0xC000, $0x38;
	[tilespmem:$0x1CA00] =	vst v63  }
0x11: {  	_ =	swait.ge [sflag:s12], $0xC000  }
0x12: {  	[sflag:s12] =	ssyncset.done $0x0  }
0x13: {  	[sflag:s12] =	ssyncadd.s32 $0xFFFF4000  }
0x14: {  	[tilespmem:s4], [sflag:$0x4] =	stream.linear.gather [hbm4b:s5+s4], $0x2000, $0x38;
	[tilespmem:$0x1CA00] =	vst v63  }
0x15: {  	_ =	swait.ge [sflag:s12], $0x2000  }
0x16: {  	[sflag:s12] =	ssyncset.done $0x0  }
0x17: {  	s21 =	simm.s32 $0x0;
	[sflag:s12] =	ssyncadd.s32 $0xFFFFE000  }
.LBB2_2:
0x18: {  	v6 =	vor.u32 s21, v2;
	p0 =	sne.s32 s21, $0x20F0  }
.Ltmp0:
0x19: {  	_ = 	snop;
	(pc) =	sbr.rel @p0 .LBB2_2-.Ltmp0, $2  }
0x1a: {  	_ =	sdelay $0x2  }
0x1b: {  	s21 =	sadd.s32 $0x10, s21;
	[tilespmem:v6+s13+$0x0] =	vst.idx.msk $0xffff, v3  }
0x1c: {  	s21 =	simm.s32 $0x0  }
0x1d: {  	v7 =	vor.u32 s21, v2;
	_ =	sdelay $0x4  }
0x1e: {  	v10 =	vld.idx.msk [tilespmem:v7+s4+$0x0], $0xffff;
	_ =	sdelay $0x4  }
0x1f: {  	vm0 =	vge.s32 v10, v0;
	vm1 =	vlt.s32 v10, v1  }
0x20: {  	vm0 =	vmand vm0, vm1  }
0x21: {  	v6 =	vsel vm0, $0x1, v4  }
0x22: {  	(xrf0) =	vadd.scan.msk.s32 $0xffff, v6;
	_ =	sdelay $0x4  }
0x23: {  	v6 =	vmpcnt.ones.xlane vm0  }
0x24: {  	v9 =	vimm.s32 $0x0;
	v11, _, _ =	vpop (xrf0)  }
0x25: {  	v8 =	vadd.s32 v9, v6;
	v6 =	vadd.s32 v11, v9  }
0x26: {  	v11 =	vadd.s32 $0xFFFFFFFF, v6;
	_ =	sdelay $0x1  }
0x27: {  	s31 =	simm.s32 $0x10  }
0x28: {  	s21 =	simm.s32 $0x20;
	v9 =	vor.u32 s31, v2;
	v6 =	vmov v8  }
.LBB2_4:
0x29: {  	p0 =	sne.s32 s21, $0x1FF0;
	v10 =	vsub.s32 v10, v0  }
0x2a: {  	[tilespmem:v11+s14+$0x0] =	vst.idx.msk vm0, v10  }
0x2b: {  	[tilespmem:v11+s13+$0x0] =	vst.idx.msk vm0, v7;
	v7 =	vmov v9  }
0x2c: {  	v10 =	vld.idx.msk [tilespmem:v9+s4+$0x0], $0xffff;
	_ =	sdelay $0x5  }
0x2d: {  	vm0 =	vge.s32 v10, v0;
	vm1 =	vlt.s32 v10, v1  }
0x2e: {  	vm0 =	vmand vm0, vm1  }
0x2f: {  	v9 =	vsel vm0, $0x1, v4;
	v11 =	vmpcnt.ones.xlane vm0  }
0x30: {  	(xrf0) =	vadd.scan.msk.s32 $0xffff, v9  }
0x31: {  	v8 =	vadd.s32 v8, v11;
	_ =	sdelay $0x4  }
0x32: {  	v9, _, _ =	vpop (xrf0)  }
.Ltmp1:
0x33: {  	v9 =	vadd.s32 v9, v6;
	v6 =	vmov v8;
	(pc) =	sbr.rel @p0 .LBB2_4-.Ltmp1, $3  }
0x34: {  	v11 =	vadd.s32 $0xFFFFFFFF, v9;
	_ =	sdelay $0x1  }
0x35: {  	v9 =	vor.u32 s21, v2  }
0x36: {  	s21 =	sadd.s32 $0x10, s21  }
0x37: {  	_ =	sdelay $0x3  }
0x38: {  	v10 =	vsub.s32 v10, v0  }
0x39: {  	[tilespmem:v11+s14+$0x0] =	vst.idx.msk vm0, v10  }
0x3a: {  	[tilespmem:v11+s13+$0x0] =	vst.idx.msk vm0, v7  }
0x3b: {  	v7 =	vld.idx.msk [tilespmem:v9+s4+$0x0], $0xffff;
	_ =	sdelay $0x4  }
0x3c: {  	vm15 =	vge.s32 v7, v0;
	vm1 =	vlt.s32 v7, v1  }
0x3d: {  	vm0 =	vmand vm15, vm1  }
0x3e: {  	v60 =	vmpcnt.ones.xlane vm0;
	_ =	sdelay $0x1  }
0x3f: {  	v61 =	vsel vm0, $0x1, v4;
	v8 =	vadd.s32 v8, v60  }
0x40: {  	(xrf0) =	vadd.scan.msk.s32 $0xffff, v61;
	v8 =	vxor.u32 $0x80000000, v8  }
0x41: {  	(xrf0) =	vmax.scan.msk.u32 $0xffff, v8;
	_ =	sdelay $0x4  }
0x42: {  	v62, _, _ =	vpop (xrf0)  }
0x43: {  	v63, _, _ =	vpop (xrf0)  }
0x44: {  	(v2sf) =	vpush v63, $0xF;
	_ =	sdelay $0xe  }
0x45: {  	s21 =	spop (v2sf)  }
0x46: {  	s22 =	sadd.s32 $0x8000017F, s21  }
0x47: {  	s23 =	smulhi.u32 $0x2AAAAAAB, s22;
	s24 =	sshra.s32 s22, $0x1F  }
0x48: {  	s24 =	smul.u32 $0x2AAAAAAB, s24;
	_ =	sdelay $0x1  }
0x49: {  	s23 =	sadd.s32 s24, s23  }
0x4a: {  	s24 =	sshrl.u32 s23, $0x1F;
	s23 =	sshra.s32 s23, $0x6  }
0x4b: {  	s23 =	sadd.s32 s24, s23  }
0x4c: {  	s24 =	smul.u32 $0xFFFFFE80, s23  }
0x4d: {  	v6 =	vadd.s32 v62, v6;
	s21 =	ssub.s32 $0x7FFFFE81, s21  }
0x4e: {  	v6 =	vadd.s32 $0xFFFFFFFF, v6;
	p0 =	slt.s32 s22, $0x1;
	p1 =	sne.s32 s24, s21  }
0x4f: {  	p0 =	por !p0, !p1  }
0x50: {  	s21 =	simm.s32 $0x1;
	p0 =	por !p0, !p0  }
0x51: {  	s21 =	simm.s32 @!p0 $0x0  }
0x52: {  	v7 =	vsub.s32 v7, v0;
	s21 =	ssub.s32 s23, s21  }
0x53: {  	[tilespmem:v6+s14+$0x0] =	vst.idx.msk vm0, v7;
	p0 =	sgt.s32 s21, $0x1  }
0x54: {  	[tilespmem:v6+s13+$0x0] =	vst.idx.msk vm0, v9;
	s22 =	simm.s32 $0x0;
	s23 =	simm.s32 $0x0;
	s21 =	simm.s32 @!p0 $0x1  }
.LBB2_6:
0x55: {  	p0 =	seq.s32 s23, $0x0  }
0x56: {  	s24 =	simm.s32 @!p0 $0x0;
	s25 =	simm.s32 @!p0 $0x6200  }
0x57: {  	[tilespmem:s25], [sflag:$0x1] =	stream.linear.gather @!p0 [hbm4b:s8+s24], $0x5400, $0x38;
	[tilespmem:$0x1CA00] =	vst v63  }
0x58: {  	s24 =	smul.u32 $0x180, s23;
	s25 =	simm.s32 $0x0  }
.LBB2_7:
0x59: {  	s26 =	sshllo.u32 s25, $0x1  }
0x5a: {  	s28 =	sand.u32 $0xFF, s26  }
0x5b: {  	s28 =	smul.u32 $0xAB, s28;
	_ =	sdelay $0x1  }
0x5c: {  	s28 =	sshrl.u32 s28, $0xB  }
0x5d: {  	s28 =	smul.u32 $0xC, s28  }
0x5e: {  	s29 =	smul.u32 $0xAB, s25  }
0x5f: {  	s26 =	ssub.s32 s26, s28  }
0x60: {  	s30 =	smul.u32 $0x156, s25;
	s28 =	sshrl.u32 s29, $0xA;
	s26 =	sand.u32 $0xFF, s26  }
0x61: {  	s29 =	sand.u32 $0x3F, s28;
	s26 =	smul.u32 $0xA80, s26  }
0x62: {  	s2 =	sadd.s32 $0x0, s22;
	s31 =	smul.u32 $0xF4280, s29  }
0x63: {  	v6 =	vor.u32 s2, v2;
	s2 =	simm.s32 $0x0;
	s30 =	sshrl.u32 s30, $0xB;
	s26 =	sadd.s32 s7, s26  }
0x64: {  	s30 =	sand.u32 $0x1F, s30;
	s31 =	sadd.s32 s1, s31;
	s26 =	smin.u32 s26, $0xF3800  }
0x65: {  	s30 =	smul.u32 $0xC, s30;
	s28 =	sshll.u32 s25, $0x1;
	s31 =	sadd.s32 s26, s31  }
0x66: {  	[tilespmem:s16], [sflag:$0x2] =	stream.linear.gather [hbm4b:s31+s2], $0x5400, $0x38;
	[tilespmem:$0x1CA00] =	vst v63  }
0x67: {  	s30 =	ssub.s32 s28, s30;
	_ =	swait.ge [sflag:s15], $0x5400  }
0x68: {  	s30 =	sand.u32 $0xFE, s30;
	[sflag:s15] =	ssyncset.done $0x0  }
0x69: {  	s30 =	smul.u32 $0xA80, s30;
	[sflag:s15] =	ssyncadd.s32 $0xFFFFAC00  }
0x6a: {  	v6 =	vld.idx.msk [tilespmem:v6+s14+$0x0], $0xffff  }
0x6b: {  	s30 =	sadd.s32 s7, s30  }
0x6c: {  	s30 =	smin.u32 s30, $0xF3800  }
0x6d: {  	s30 =	ssub.s32 s7, s30  }
0x6e: {  	v14 =	vmov s30  }
0x6f: {  	v7 =	vadd.s32 v14, v6  }
0x70: {  	vm0 =	vgt.s32 v7, $0x0  }
0x71: {  	v8 =	vnsel vm0, $0x0, v7  }
0x72: {  	v6 =	vor.u32 v6, v7;
	v8 =	vmin.u32 v8, $0xA7F  }
0x73: {  	vm1 =	vlt.s32 v7, $0xA80;
	vm0 =	vgt.s32 v6, $0xFFFFFFFF;
	v6 =	vshll.u32 v8, $0x3  }
0x74: {  	vm0 =	vmand vm1, vm0;
	v7 =	vand.u32 $0x7F, v8;
	v6 =	vand.u32 $0x7C00, v6  }
0x75: {  	s30 =	sshll.u32 s29, $0x3;
	v13 =	vor.u32 v7, v6  }
0x76: {  	v6 =	vmov s30  }
0x77: {  	v7 =	vmov s2;
	v6 =	vand.u32 $0x78, v6  }
0x78: {  	v7 =	vshll.u32 v7, $0x7;
	v6 =	vbroadcast v6, $0x0  }
0x79: {  	v16 =	vor.u32 v5, v7  }
0x7a: {  	v9 =	vor.u32 v6, v16;
	v8 =	vld.idx.msk [tilespmem:v13+s10+$0x0], vm0  }
0x7b: {  	s31 =	sor.u32 $0x1, s30;
	v10 =	vor.u32 $0x80, v13  }
0x7c: {  	v7 =	vmov s31  }
0x7d: {  	v7 =	vand.u32 $0x79, v7  }
0x7e: {  	v7 =	vbroadcast v7, $0x0  }
0x7f: {  	[tilespmem:v9+s11+$0x0] =	vst.idx.msk vm0, v8  }
0x80: {  	v9 =	vld.idx.msk [tilespmem:v10+s10+$0x0], vm0;
	v10 =	vor.u32 v7, v16  }
0x81: {  	v11 =	vor.u32 $0x100, v13;
	s31 =	sor.u32 $0x2, s30  }
0x82: {  	v8 =	vmov s31  }
0x83: {  	v8 =	vand.u32 $0x7A, v8  }
0x84: {  	v8 =	vbroadcast v8, $0x0  }
0x85: {  	[tilespmem:v10+s11+$0x0] =	vst.idx.msk vm0, v9  }
0x86: {  	v10 =	vld.idx.msk [tilespmem:v11+s10+$0x0], vm0;
	v11 =	vor.u32 v8, v16  }
0x87: {  	v12 =	vor.u32 $0x180, v13;
	s31 =	sor.u32 $0x3, s30  }
0x88: {  	v9 =	vmov s31  }
0x89: {  	v9 =	vand.u32 $0x7B, v9  }
0x8a: {  	v9 =	vbroadcast v9, $0x0  }
0x8b: {  	[tilespmem:v11+s11+$0x0] =	vst.idx.msk vm0, v10  }
0x8c: {  	v11 =	vld.idx.msk [tilespmem:v12+s10+$0x0], vm0;
	v12 =	vor.u32 v9, v16  }
0x8d: {  	v15 =	vor.u32 $0x200, v13;
	s31 =	sor.u32 $0x4, s30  }
0x8e: {  	v10 =	vmov s31  }
0x8f: {  	v10 =	vand.u32 $0x7C, v10  }
0x90: {  	v10 =	vbroadcast v10, $0x0  }
0x91: {  	[tilespmem:v12+s11+$0x0] =	vst.idx.msk vm0, v11  }
0x92: {  	v12 =	vld.idx.msk [tilespmem:v15+s10+$0x0], vm0;
	v15 =	vor.u32 v10, v16  }
0x93: {  	v17 =	vor.u32 $0x280, v13;
	s31 =	sor.u32 $0x5, s30  }
0x94: {  	v11 =	vmov s31  }
0x95: {  	v11 =	vand.u32 $0x7D, v11  }
0x96: {  	v11 =	vbroadcast v11, $0x0  }
0x97: {  	[tilespmem:v15+s11+$0x0] =	vst.idx.msk vm0, v12  }
0x98: {  	v15 =	vld.idx.msk [tilespmem:v17+s10+$0x0], vm0;
	v17 =	vor.u32 v11, v16  }
0x99: {  	v18 =	vor.u32 $0x300, v13;
	s31 =	sor.u32 $0x6, s30  }
0x9a: {  	v12 =	vmov s31  }
0x9b: {  	v12 =	vand.u32 $0x7E, v12  }
0x9c: {  	v12 =	vbroadcast v12, $0x0  }
0x9d: {  	[tilespmem:v17+s11+$0x0] =	vst.idx.msk vm0, v15  }
0x9e: {  	v17 =	vor.u32 v12, v16;
	v15 =	vld.idx.msk [tilespmem:v18+s10+$0x0], vm0  }
0x9f: {  	s31 =	sshllo.u32 s29, $0x3;
	v18 =	vor.u32 $0x380, v13  }
0xa0: {  	v13 =	vmov s31  }
0xa1: {  	v13 =	vand.u32 $0x7F, v13  }
0xa2: {  	v13 =	vbroadcast v13, $0x0  }
0xa3: {  	[tilespmem:v17+s11+$0x0] =	vst.idx.msk vm0, v15  }
0xa4: {  	s31 =	sadd.s32 $0x10, s22;
	v17 =	vor.u32 v13, v16;
	v15 =	vld.idx.msk [tilespmem:v18+s10+$0x0], vm0  }
0xa5: {  	s30 =	simm.s32 $0x20;
	s29 =	simm.s32 $0x10;
	v16 =	vor.u32 s31, v2  }
.LBB2_8:
0xa6: {  	_ =	sdelay $0x2  }
0xa7: {  	p0 =	sne.s32 s30, $0x170;
	s2 =	smov.u32 s30;
	s30 =	sadd.s32 $0x10, s30;
	[tilespmem:v17+s11+$0x0] =	vst.idx.msk vm0, v15  }
0xa8: {  	v15 =	vld.idx.msk [tilespmem:v16+s14+$0x0], $0xffff;
	_ =	sdelay $0x5  }
0xa9: {  	v16 =	vadd.s32 v14, v15  }
0xaa: {  	v15 =	vor.u32 v15, v16;
	vm0 =	vgt.s32 v16, $0x0  }
0xab: {  	vm1 =	vgt.s32 v15, $0xFFFFFFFF;
	v15 =	vnsel vm0, $0x0, v16  }
0xac: {  	v15 =	vmin.u32 v15, $0xA7F  }
0xad: {  	vm0 =	vlt.s32 v16, $0xA80;
	v16 =	vshll.u32 v15, $0x3  }
0xae: {  	vm0 =	vmand vm0, vm1;
	v15 =	vand.u32 $0x7F, v15;
	v16 =	vand.u32 $0x7C00, v16  }
0xaf: {  	v15 =	vor.u32 v15, v16;
	_ =	sdelay $0x2  }
0xb0: {  	v16 =	vmov s29;
	s29 =	smov.u32 s2  }
0xb1: {  	v16 =	vshll.u32 v16, $0x7  }
0xb2: {  	v16 =	vor.u32 v5, v16;
	v17 =	vld.idx.msk [tilespmem:v15+s10+$0x0], vm0  }
0xb3: {  	v18 =	vor.u32 v6, v16  }
0xb4: {  	v19 =	vor.u32 $0x80, v15;
	_ =	sdelay $0x3  }
0xb5: {  	[tilespmem:v18+s11+$0x0] =	vst.idx.msk vm0, v17  }
0xb6: {  	v17 =	vld.idx.msk [tilespmem:v19+s10+$0x0], vm0  }
0xb7: {  	v18 =	vor.u32 v7, v16  }
0xb8: {  	v19 =	vor.u32 $0x100, v15;
	_ =	sdelay $0x3  }
0xb9: {  	[tilespmem:v18+s11+$0x0] =	vst.idx.msk vm0, v17  }
0xba: {  	v17 =	vld.idx.msk [tilespmem:v19+s10+$0x0], vm0  }
0xbb: {  	v18 =	vor.u32 v8, v16  }
0xbc: {  	v19 =	vor.u32 $0x180, v15;
	_ =	sdelay $0x3  }
0xbd: {  	[tilespmem:v18+s11+$0x0] =	vst.idx.msk vm0, v17  }
0xbe: {  	v17 =	vld.idx.msk [tilespmem:v19+s10+$0x0], vm0  }
0xbf: {  	v18 =	vor.u32 v9, v16  }
0xc0: {  	v19 =	vor.u32 $0x200, v15;
	_ =	sdelay $0x3  }
0xc1: {  	[tilespmem:v18+s11+$0x0] =	vst.idx.msk vm0, v17  }
0xc2: {  	v17 =	vld.idx.msk [tilespmem:v19+s10+$0x0], vm0  }
0xc3: {  	v18 =	vor.u32 v10, v16  }
0xc4: {  	v19 =	vor.u32 $0x280, v15;
	_ =	sdelay $0x3  }
0xc5: {  	[tilespmem:v18+s11+$0x0] =	vst.idx.msk vm0, v17  }
0xc6: {  	v17 =	vld.idx.msk [tilespmem:v19+s10+$0x0], vm0  }
0xc7: {  	v18 =	vor.u32 v11, v16  }
0xc8: {  	v19 =	vor.u32 $0x300, v15;
	_ =	sdelay $0x3  }
0xc9: {  	[tilespmem:v18+s11+$0x0] =	vst.idx.msk vm0, v17  }
0xca: {  	v17 =	vld.idx.msk [tilespmem:v19+s10+$0x0], vm0  }
0xcb: {  	v18 =	vor.u32 v12, v16  }
0xcc: {  	v15 =	vor.u32 $0x380, v15;
	_ =	sdelay $0x2  }
.Ltmp2:
0xcd: {  	(pc) =	sbr.rel @p0 .LBB2_8-.Ltmp2, $4  }
0xce: {  	[tilespmem:v18+s11+$0x0] =	vst.idx.msk vm0, v17  }
0xcf: {  	v15 =	vld.idx.msk [tilespmem:v15+s10+$0x0], vm0  }
0xd0: {  	s2 =	sadd.s32 s29, s22;
	v17 =	vor.u32 v13, v16  }
0xd1: {  	v16 =	vor.u32 s2, v2  }
0xd2: {  	_ =	sdelay $0x4  }
0xd3: {  	[tilespmem:v17+s11+$0x0] =	vst.idx.msk vm0, v15  }
0xd4: {  	v15 =	vld.idx.msk [tilespmem:v16+s14+$0x0], $0xffff;
	_ =	sdelay $0x4  }
0xd5: {  	v14 =	vadd.s32 v14, v15  }
0xd6: {  	vm0 =	vgt.s32 v14, $0x0  }
0xd7: {  	v16 =	vnsel vm0, $0x0, v14  }
0xd8: {  	v15 =	vor.u32 v15, v14;
	v16 =	vmin.u32 v16, $0xA7F  }
0xd9: {  	vm1 =	vlt.s32 v14, $0xA80;
	vm0 =	vgt.s32 v15, $0xFFFFFFFF;
	v14 =	vshll.u32 v16, $0x3  }
0xda: {  	vm0 =	vmand vm1, vm0;
	v15 =	vand.u32 $0x7F, v16;
	v14 =	vand.u32 $0x7C00, v14  }
0xdb: {  	v14 =	vor.u32 v15, v14;
	_ =	sdelay $0x1  }
0xdc: {  	v15 =	vmov s29  }
0xdd: {  	v15 =	vshll.u32 v15, $0x7  }
0xde: {  	v15 =	vor.u32 v5, v15  }
0xdf: {  	v17 =	vor.u32 v6, v15;
	v16 =	vld.idx.msk [tilespmem:v14+s10+$0x0], vm0  }
0xe0: {  	v18 =	vor.u32 $0x80, v14;
	_ =	sdelay $0x3  }
0xe1: {  	[tilespmem:v17+s11+$0x0] =	vst.idx.msk vm0, v16  }
0xe2: {  	v17 =	vor.u32 v7, v15;
	v16 =	vld.idx.msk [tilespmem:v18+s10+$0x0], vm0  }
0xe3: {  	v18 =	vor.u32 $0x100, v14;
	_ =	sdelay $0x3  }
0xe4: {  	[tilespmem:v17+s11+$0x0] =	vst.idx.msk vm0, v16  }
0xe5: {  	v17 =	vor.u32 v8, v15;
	v16 =	vld.idx.msk [tilespmem:v18+s10+$0x0], vm0  }
0xe6: {  	v18 =	vor.u32 $0x180, v14;
	_ =	sdelay $0x3  }
0xe7: {  	[tilespmem:v17+s11+$0x0] =	vst.idx.msk vm0, v16  }
0xe8: {  	v17 =	vor.u32 v9, v15;
	v16 =	vld.idx.msk [tilespmem:v18+s10+$0x0], vm0  }
0xe9: {  	v18 =	vor.u32 $0x200, v14;
	_ =	sdelay $0x3  }
0xea: {  	[tilespmem:v17+s11+$0x0] =	vst.idx.msk vm0, v16  }
0xeb: {  	v17 =	vor.u32 v10, v15;
	v16 =	vld.idx.msk [tilespmem:v18+s10+$0x0], vm0  }
0xec: {  	v18 =	vor.u32 $0x280, v14;
	_ =	sdelay $0x3  }
0xed: {  	[tilespmem:v17+s11+$0x0] =	vst.idx.msk vm0, v16  }
0xee: {  	v17 =	vor.u32 v11, v15;
	v16 =	vld.idx.msk [tilespmem:v18+s10+$0x0], vm0  }
0xef: {  	p0 =	seq.s32 s25, $0x2F;
	v18 =	vor.u32 $0x300, v14  }
0xf0: {  	s2 =	sadd.s32 @!p0 $0x2, s28  }
0xf1: {  	s28 =	smulhi.u32 @!p0 $0x2AAAAAAB, s2;
	_ =	sdelay $0x1  }
0xf2: {  	s28 =	sshrl.u32 @!p0 s28, $0x1;
	[tilespmem:v17+s11+$0x0] =	vst.idx.msk vm0, v16  }
0xf3: {  	s29 =	smul.u32 @!p0 $0xC, s28;
	v17 =	vor.u32 v12, v15;
	v16 =	vld.idx.msk [tilespmem:v18+s10+$0x0], vm0  }
0xf4: {  	v14 =	vor.u32 $0x380, v14  }
0xf5: {  	s2 =	ssub.s32 @!p0 s2, s29  }
0xf6: {  	s2 =	smul.u32 @!p0 $0xA80, s2;
	_ =	sdelay $0x1  }
0xf7: {  	s2 =	sadd.s32 @!p0 s7, s2;
	[tilespmem:v17+s11+$0x0] =	vst.idx.msk vm0, v16  }
0xf8: {  	p1 =	slt.s32 @!p0 s2, $0xF3800;
	v15 =	vor.u32 v13, v15;
	v14 =	vld.idx.msk [tilespmem:v14+s10+$0x0], vm0  }
0xf9: {  	s28 =	smul.u32 @!p0 $0xF4280, s28;
	p1 =	por !p1, p0  }
0xfa: {  	s2 =	simm.s32 @p1 $0xF3800  }
0xfb: {  	s2 =	sadd.s32 @!p0 s28, s2  }
0xfc: {  	s28 =	sadd.s32 $0x0, s22;
	s2 =	sand.u32 @!p0 $0x1FFFFF80, s2  }
0xfd: {  	s29 =	simm.s32 @!p0 $0x0;
	s2 =	sadd.s32 @!p0 s1, s2;
	[tilespmem:v15+s11+$0x0] =	vst.idx.msk vm0, v14;
	v14 =	vor.u32 s28, v2;
	s28 =	simm.s32 @!p0 $0x6200  }
0xfe: {  	[tilespmem:s28], [sflag:$0x1] =	stream.linear.gather @!p0 [hbm4b:s2+s29], $0x5400, $0x38;
	[tilespmem:$0x1CA00] =	vst v63  }
0xff: {  	_ =	swait.ge [sflag:s17], $0x5400  }
0x100: {  	[sflag:s17] =	ssyncset.done $0x0  }
0x101: {  	[sflag:s17] =	ssyncadd.s32 $0xFFFFAC00  }
0x102: {  	v15 =	vld.idx.msk [tilespmem:v14+s14+$0x0], $0xffff;
	_ =	sdelay $0x2  }
0x103: {  	s29 =	ssub.s32 s7, s26  }
0x104: {  	v14 =	vmov s29  }
0x105: {  	v16 =	vadd.s32 v14, v15  }
0x106: {  	vm0 =	vgt.s32 v16, $0x0  }
0x107: {  	v17 =	vnsel vm0, $0x0, v16  }
0x108: {  	v15 =	vor.u32 v15, v16;
	v17 =	vmin.u32 v17, $0xA7F  }
0x109: {  	vm1 =	vlt.s32 v16, $0xA80;
	vm0 =	vgt.s32 v15, $0xFFFFFFFF;
	v15 =	vshll.u32 v17, $0x3  }
0x10a: {  	vm0 =	vmand vm1, vm0;
	v16 =	vand.u32 $0x7F, v17;
	v15 =	vand.u32 $0x7C00, v15  }
0x10b: {  	v15 =	vor.u32 v16, v15  }
0x10c: {  	s30 =	simm.s32 $0x0  }
0x10d: {  	v16 =	vmov s30  }
0x10e: {  	v16 =	vshll.u32 v16, $0x7  }
0x10f: {  	v16 =	vor.u32 v5, v16  }
0x110: {  	v18 =	vor.u32 v6, v16;
	v17 =	vld.idx.msk [tilespmem:v15+s16+$0x0], vm0  }
0x111: {  	v19 =	vor.u32 $0x80, v15;
	_ =	sdelay $0x3  }
0x112: {  	[tilespmem:v18+s11+$0x0] =	vst.idx.msk vm0, v17  }
0x113: {  	v18 =	vor.u32 v7, v16;
	v17 =	vld.idx.msk [tilespmem:v19+s16+$0x0], vm0  }
0x114: {  	v19 =	vor.u32 $0x100, v15;
	_ =	sdelay $0x3  }
0x115: {  	[tilespmem:v18+s11+$0x0] =	vst.idx.msk vm0, v17  }
0x116: {  	v18 =	vor.u32 v8, v16;
	v17 =	vld.idx.msk [tilespmem:v19+s16+$0x0], vm0  }
0x117: {  	v19 =	vor.u32 $0x180, v15;
	_ =	sdelay $0x3  }
0x118: {  	[tilespmem:v18+s11+$0x0] =	vst.idx.msk vm0, v17  }
0x119: {  	v18 =	vor.u32 v9, v16;
	v17 =	vld.idx.msk [tilespmem:v19+s16+$0x0], vm0  }
0x11a: {  	v19 =	vor.u32 $0x200, v15;
	_ =	sdelay $0x3  }
0x11b: {  	[tilespmem:v18+s11+$0x0] =	vst.idx.msk vm0, v17  }
0x11c: {  	v18 =	vor.u32 v10, v16;
	v17 =	vld.idx.msk [tilespmem:v19+s16+$0x0], vm0  }
0x11d: {  	v19 =	vor.u32 $0x280, v15;
	_ =	sdelay $0x3  }
0x11e: {  	[tilespmem:v18+s11+$0x0] =	vst.idx.msk vm0, v17  }
0x11f: {  	v18 =	vor.u32 v11, v16;
	v17 =	vld.idx.msk [tilespmem:v19+s16+$0x0], vm0  }
0x120: {  	v19 =	vor.u32 $0x300, v15;
	_ =	sdelay $0x3  }
0x121: {  	[tilespmem:v18+s11+$0x0] =	vst.idx.msk vm0, v17  }
0x122: {  	v18 =	vor.u32 v12, v16;
	v17 =	vld.idx.msk [tilespmem:v19+s16+$0x0], vm0  }
0x123: {  	v15 =	vor.u32 $0x380, v15;
	_ =	sdelay $0x3  }
0x124: {  	[tilespmem:v18+s11+$0x0] =	vst.idx.msk vm0, v17  }
0x125: {  	s31 =	sadd.s32 $0x10, s22;
	v17 =	vor.u32 v13, v16;
	v15 =	vld.idx.msk [tilespmem:v15+s16+$0x0], vm0  }
0x126: {  	s26 =	simm.s32 $0x10;
	s28 =	simm.s32 $0x20;
	v16 =	vor.u32 s31, v2  }
.LBB2_10:
0x127: {  	_ =	sdelay $0x2  }
0x128: {  	p0 =	sne.s32 s28, $0x170;
	s2 =	smov.u32 s28;
	s28 =	sadd.s32 $0x10, s28;
	[tilespmem:v17+s11+$0x0] =	vst.idx.msk vm0, v15  }
0x129: {  	v15 =	vld.idx.msk [tilespmem:v16+s14+$0x0], $0xffff;
	_ =	sdelay $0x5  }
0x12a: {  	v16 =	vadd.s32 v14, v15  }
0x12b: {  	v15 =	vor.u32 v15, v16;
	vm0 =	vgt.s32 v16, $0x0  }
0x12c: {  	vm1 =	vgt.s32 v15, $0xFFFFFFFF;
	v15 =	vnsel vm0, $0x0, v16  }
0x12d: {  	v15 =	vmin.u32 v15, $0xA7F  }
0x12e: {  	vm0 =	vlt.s32 v16, $0xA80;
	v16 =	vshll.u32 v15, $0x3  }
0x12f: {  	vm0 =	vmand vm0, vm1;
	v15 =	vand.u32 $0x7F, v15;
	v16 =	vand.u32 $0x7C00, v16  }
0x130: {  	v15 =	vor.u32 v15, v16;
	_ =	sdelay $0x2  }
0x131: {  	v16 =	vmov s26;
	s26 =	smov.u32 s2  }
0x132: {  	v16 =	vshll.u32 v16, $0x7  }
0x133: {  	v16 =	vor.u32 v5, v16;
	v17 =	vld.idx.msk [tilespmem:v15+s16+$0x0], vm0  }
0x134: {  	v18 =	vor.u32 v6, v16  }
0x135: {  	v19 =	vor.u32 $0x80, v15;
	_ =	sdelay $0x3  }
0x136: {  	[tilespmem:v18+s11+$0x0] =	vst.idx.msk vm0, v17  }
0x137: {  	v17 =	vld.idx.msk [tilespmem:v19+s16+$0x0], vm0  }
0x138: {  	v18 =	vor.u32 v7, v16  }
0x139: {  	v19 =	vor.u32 $0x100, v15;
	_ =	sdelay $0x3  }
0x13a: {  	[tilespmem:v18+s11+$0x0] =	vst.idx.msk vm0, v17  }
0x13b: {  	v17 =	vld.idx.msk [tilespmem:v19+s16+$0x0], vm0  }
0x13c: {  	v18 =	vor.u32 v8, v16  }
0x13d: {  	v19 =	vor.u32 $0x180, v15;
	_ =	sdelay $0x3  }
0x13e: {  	[tilespmem:v18+s11+$0x0] =	vst.idx.msk vm0, v17  }
0x13f: {  	v17 =	vld.idx.msk [tilespmem:v19+s16+$0x0], vm0  }
0x140: {  	v18 =	vor.u32 v9, v16  }
0x141: {  	v19 =	vor.u32 $0x200, v15;
	_ =	sdelay $0x3  }
0x142: {  	[tilespmem:v18+s11+$0x0] =	vst.idx.msk vm0, v17  }
0x143: {  	v17 =	vld.idx.msk [tilespmem:v19+s16+$0x0], vm0  }
0x144: {  	v18 =	vor.u32 v10, v16  }
0x145: {  	v19 =	vor.u32 $0x280, v15;
	_ =	sdelay $0x3  }
0x146: {  	[tilespmem:v18+s11+$0x0] =	vst.idx.msk vm0, v17  }
0x147: {  	v17 =	vld.idx.msk [tilespmem:v19+s16+$0x0], vm0  }
0x148: {  	v18 =	vor.u32 v11, v16  }
0x149: {  	v19 =	vor.u32 $0x300, v15;
	_ =	sdelay $0x3  }
0x14a: {  	[tilespmem:v18+s11+$0x0] =	vst.idx.msk vm0, v17  }
0x14b: {  	v17 =	vld.idx.msk [tilespmem:v19+s16+$0x0], vm0  }
0x14c: {  	v18 =	vor.u32 v12, v16  }
0x14d: {  	v15 =	vor.u32 $0x380, v15;
	_ =	sdelay $0x2  }
.Ltmp3:
0x14e: {  	(pc) =	sbr.rel @p0 .LBB2_10-.Ltmp3, $4  }
0x14f: {  	[tilespmem:v18+s11+$0x0] =	vst.idx.msk vm0, v17  }
0x150: {  	v15 =	vld.idx.msk [tilespmem:v15+s16+$0x0], vm0  }
0x151: {  	s2 =	sadd.s32 s26, s22;
	v17 =	vor.u32 v13, v16  }
0x152: {  	v16 =	vor.u32 s2, v2  }
0x153: {  	_ =	sdelay $0x4  }
0x154: {  	[tilespmem:v17+s11+$0x0] =	vst.idx.msk vm0, v15  }
0x155: {  	v15 =	vld.idx.msk [tilespmem:v16+s14+$0x0], $0xffff;
	_ =	sdelay $0x4  }
0x156: {  	v14 =	vadd.s32 v14, v15  }
0x157: {  	vm14 =	vgt.s32 v14, $0x0  }
0x158: {  	v52 =	vnsel vm14, $0x0, v14  }
0x159: {  	v15 =	vor.u32 v15, v14;
	v16 =	vmin.u32 v52, $0xA7F  }
0x15a: {  	vm1 =	vlt.s32 v14, $0xA80;
	vm15 =	vgt.s32 v15, $0xFFFFFFFF;
	v53 =	vshll.u32 v16, $0x3  }
0x15b: {  	vm0 =	vmand vm1, vm15;
	v54 =	vand.u32 $0x7F, v16;
	v14 =	vand.u32 $0x7C00, v53  }
0x15c: {  	v14 =	vor.u32 v54, v14;
	_ =	sdelay $0x1  }
0x15d: {  	v55 =	vmov s26  }
0x15e: {  	v15 =	vshll.u32 v55, $0x7  }
0x15f: {  	v15 =	vor.u32 v5, v15  }
0x160: {  	v6 =	vor.u32 v6, v15;
	v56 =	vld.idx.msk [tilespmem:v14+s16+$0x0], vm0  }
0x161: {  	v57 =	vor.u32 $0x80, v14;
	_ =	sdelay $0x3  }
0x162: {  	[tilespmem:v6+s11+$0x0] =	vst.idx.msk vm0, v56  }
0x163: {  	v7 =	vor.u32 v7, v15;
	v6 =	vld.idx.msk [tilespmem:v57+s16+$0x0], vm0  }
0x164: {  	v58 =	vor.u32 $0x100, v14;
	_ =	sdelay $0x3  }
0x165: {  	[tilespmem:v7+s11+$0x0] =	vst.idx.msk vm0, v6  }
0x166: {  	v7 =	vor.u32 v8, v15;
	v6 =	vld.idx.msk [tilespmem:v58+s16+$0x0], vm0  }
0x167: {  	v59 =	vor.u32 $0x180, v14;
	_ =	sdelay $0x3  }
0x168: {  	[tilespmem:v7+s11+$0x0] =	vst.idx.msk vm0, v6  }
0x169: {  	v7 =	vor.u32 v9, v15;
	v6 =	vld.idx.msk [tilespmem:v59+s16+$0x0], vm0  }
0x16a: {  	v60 =	vor.u32 $0x200, v14;
	_ =	sdelay $0x3  }
0x16b: {  	[tilespmem:v7+s11+$0x0] =	vst.idx.msk vm0, v6  }
0x16c: {  	v7 =	vor.u32 v10, v15;
	v6 =	vld.idx.msk [tilespmem:v60+s16+$0x0], vm0  }
0x16d: {  	v61 =	vor.u32 $0x280, v14;
	_ =	sdelay $0x3  }
0x16e: {  	[tilespmem:v7+s11+$0x0] =	vst.idx.msk vm0, v6  }
0x16f: {  	v7 =	vor.u32 v11, v15;
	v6 =	vld.idx.msk [tilespmem:v61+s16+$0x0], vm0  }
0x170: {  	v62 =	vor.u32 $0x300, v14;
	_ =	sdelay $0x3  }
0x171: {  	[tilespmem:v7+s11+$0x0] =	vst.idx.msk vm0, v6  }
0x172: {  	v7 =	vor.u32 v12, v15;
	v6 =	vld.idx.msk [tilespmem:v62+s16+$0x0], vm0  }
0x173: {  	v63 =	vor.u32 $0x380, v14;
	_ =	sdelay $0x3  }
0x174: {  	s25 =	sadd.s32 $0x1, s25;
	[tilespmem:v7+s11+$0x0] =	vst.idx.msk vm0, v6  }
0x175: {  	p0 =	sne.s32 s25, $0x30;
	v7 =	vor.u32 v13, v15;
	v6 =	vld.idx.msk [tilespmem:v63+s16+$0x0], vm0  }
.Ltmp4:
0x176: {  	_ = 	snop;
	(pc) =	sbr.rel @p0 .LBB2_7-.Ltmp4, $2  }
0x177: {  	_ =	sdelay $0x2  }
0x178: {  	[tilespmem:v7+s11+$0x0] =	vst.idx.msk vm0, v6  }
0x179: {  	s23 =	sadd.s32 $0x1, s23  }
0x17a: {  	(ifvalue) =	ssetifvalue $0xFFFFFFFF;
	p0 =	sne.s32 s23, s21  }
.Ltmp5:
0x17b: {  	s2 =	sadd.s32 $0x4100, s24;
	(ifvalue) =	ssetifvalue $0xFFFFFFFF;
	(pc) =	sbr.rel @p0 .LBB2_6-.Ltmp5, $4  }
0x17c: {  	[hbm4b:s3+s18] =	stream.indirect.scatter [tilespmem:s11], [sflag:$0x3], $0x80, s2, s18, $0x40b8;
	[tilespmem:$0x1CA00] =	vst v63  }
0x17d: {  	_ =	swait.ge [sflag:s19], $0xC000  }
0x17e: {  	[sflag:s19] =	ssyncset.done $0x0  }
0x17f: {  	s22 =	sadd.s32 $0x180, s22;
	[sflag:s19] =	ssyncadd.s32 $0xFFFF4000  }
0x180: {  	s20 =	sadd.s32 $0x1, s20  }
0x181: {  	p0 =	sne.s32 s20, s9  }
.Ltmp6:
0x182: {  	_ = 	snop;
	(pc) =	sbr.rel @p0 .LBB2_1-.Ltmp6, $1  }
0x183: {  	_ =	sdelay $0x3  }
0x184: {  	_ =	sfence.sel $0x180000  }
0x185: {  	[bflag:$0x0] =	sbarrier.arrive $0xFFFF  }
0x186: {  	_ =	strace $0x90000047  }
0x187: {  	[bflag:$0x2] =	sbarrier.arrive $0xFFFF  }
0x188: {  	p0 =	sne.s32 s0, $0x0;
	s0 =	rddreg [dreg:$0x3]  }
0x189: {  	s0 =	sadd.s32 @!p0 $0x100000, s0  }
0x18a: {  	[sflag:s0] =	ssyncadd.tile.s32 @!p0 $0x1;
	_ =	shalt  }
.Lfunc_end2:
_tile_overlayer_lowered:
.L_overlay_start_2:
0x18b: {  	(tag) =	ssettag $0x2  }
0x18c: {  	s0 =	rddreg [dreg:$0x0];
	s2 =	stileid.u32  }
0x18d: {  	s1 =	rddreg [dreg:$0x1];
	p0 =	sne.s32 s2, $0x0  }
0x18e: {  	s3 =	rddreg [dreg:$0x2];
	[bflag:$0x3] =	sbarrier.arrive $0xFFFF;
	s2 =	simm.s32 @!p0 $0x1C04  }
0x18f: {  	[timem:s3], [sflag:s2] =	dma.local @!p0 [hbm:s0], s1  }
0x190: {  	s0 =	simm.s32 @!p0 $0x4  }
0x191: {  	_ =	swait.ge @!p0 [sflag:s0], s1  }
0x192: {  	s1 =	ssub.s32 @!p0 $0x0, s1;
	[sflag:s0] =	ssyncset.done @!p0 $0x0  }
0x193: {  	[sflag:s0] =	ssyncadd.s32 @!p0 s1  }
0x194: {  	[bflag:$0x3] =	sbarrier.arrive $0xFFFF  }
0x195: {  	_ =	shalt  }

</sc_bundles>
